<compile_context>
chip_gen: v7x
topology: tpu7x:2x2x1
jax: 0.10.2.dev20260603
libtpu: 0.0.44.dev20260713+nightly
codegen_flags: <defaults>
</compile_context>

<pallas_src>
import functools

import jax
import jax.numpy as jnp
from jax import lax
from jax.experimental import pallas as pl
from jax.experimental.pallas import tpu as pltpu
from jax.experimental.pallas import tpu_sc as plsc

S = 200
B = 4096
D = 32
L = 16
CHUNK = 128
NCH = B // CHUNK
NBUF = 2
UNROLL = 4
NEG = -1e30


def _fused_sc(emb, x):
    info = plsc.get_sparse_core_info()
    nw = info.num_cores * info.num_subcores
    base_seg, extra = S // nw, S % nw
    mesh = plsc.VectorSubcoreMesh(core_axis_name="c", subcore_axis_name="s")

    @functools.partial(
        pl.kernel,
        mesh=mesh,
        compiler_params=pltpu.CompilerParams(use_tc_tiling_on_sc=False),
        out_type=jax.ShapeDtypeStruct((S, D), jnp.float32),
        scratch_types=[
            pltpu.VMEM((NCH, CHUNK), jnp.int32),
            pltpu.VMEM((NBUF, CHUNK, D), jnp.float32),
            pltpu.VMEM((B, L), jnp.uint32),
            pltpu.VMEM((D,), jnp.float32),
            pltpu.SemaphoreType.DMA,
            pltpu.SemaphoreType.DMA,
        ],
    )
    def k(table, idx_hbm, out_hbm, idx2, ring, ebf, rowbuf,
          sem0, sem1):
        sems = (sem0, sem1)
        wid = lax.axis_index("s") * info.num_cores + lax.axis_index("c")
        nseg = jnp.where(wid < extra, base_seg + 1, base_seg)
        seg0 = base_seg * wid + jnp.minimum(wid, extra)

        def fire(c, p):
            pltpu.async_copy(table.at[idx2.at[c]], ring.at[p], sems[p])

        def drain(p):
            pltpu.make_async_copy(
                table.at[pl.ds(0, CHUNK)], ring.at[p], sems[p]
            ).wait()

        neg_inf = jnp.full((L,), -3.4e38, jnp.float32)
        zeros = jnp.zeros((L,), jnp.float32)
        himask = jnp.full((L,), 0xFFFF0000, jnp.uint32)

        def bf16_pack(lo, hi):
            lo_u = lax.bitcast_convert_type(lo, jnp.uint32)
            hi_u = lax.bitcast_convert_type(hi, jnp.uint32)
            return (lo_u >> 16) | (hi_u & himask)

        def bf16_unpack(u):
            lo = lax.bitcast_convert_type(u << 16, jnp.float32)
            hi = lax.bitcast_convert_type(u & himask, jnp.float32)
            return lo, hi

        def do_segment(s):
            pltpu.sync_copy(idx_hbm.at[s], idx2)
            for p in range(NBUF):
                fire(p, p)

            def pair(j, m):
                for p in range(NBUF):
                    c = NBUF * j + p
                    drain(p)
                    rbuf = ring.at[p]

                    def row_a(r4, mm, _c=c, _rbuf=rbuf):
                        ml, mh = mm
                        for u in range(UNROLL):
                            r = UNROLL * r4 + u
                            lo = _rbuf[r, pl.ds(0, L)]
                            hi = _rbuf[r, pl.ds(L, L)]
                            ml = jnp.maximum(ml, lo)
                            mh = jnp.maximum(mh, hi)
                            mlo = jnp.where(lo == 0.0, NEG, lo)
                            mhi = jnp.where(hi == 0.0, NEG, hi)
                            ebf[_c * CHUNK + r] = bf16_pack(mlo, mhi)
                        return ml, mh

                    m = lax.fori_loop(0, CHUNK // UNROLL, row_a, m)

                    @pl.when(c + NBUF < NCH)
                    def _(_c=c, _p=p):
                        fire(_c + NBUF, _p)

                return m

            m_lo, m_hi = lax.fori_loop(
                0, NCH // NBUF, pair, (neg_inf, neg_inf))

            def row_b(r4, ss, _ml=m_lo, _mh=m_hi):
                sl, sh = ss
                for u in range(UNROLL):
                    r = UNROLL * r4 + u
                    a, bb = bf16_unpack(ebf[r])
                    sl = sl + jnp.exp(a - _ml)
                    sh = sh + jnp.exp(bb - _mh)
                return sl, sh

            d_lo, d_hi = lax.fori_loop(0, B // UNROLL, row_b, (zeros, zeros))
            inv_lo = 1.0 / d_lo
            inv_hi = 1.0 / d_hi

            def row_c(r4, qq, _ml=m_lo, _mh=m_hi, _il=inv_lo, _ih=inv_hi):
                ql, qh = qq
                for u in range(UNROLL):
                    r = UNROLL * r4 + u
                    a, bb = bf16_unpack(ebf[r])
                    ql = ql + jnp.exp(a - _ml) * _il
                    qh = qh + jnp.exp(bb - _mh) * _ih
                return ql, qh

            p_lo, p_hi = lax.fori_loop(0, B // UNROLL, row_c, (zeros, zeros))
            rowbuf[pl.ds(0, L)] = p_lo * (1.0 / B)
            rowbuf[pl.ds(L, L)] = p_hi * (1.0 / B)
            pltpu.sync_copy(rowbuf, out_hbm.at[s])

        def seg_body(ki, carry):
            do_segment(seg0 + ki)
            return carry

        lax.fori_loop(0, nseg, seg_body, 0)

    return k(emb, x)


def _restripe_tc(x):

    def body(x_ref, o_ref):
        o_ref[...] = x_ref[...].reshape(8, NCH, CHUNK)

    return pl.pallas_call(
        body,
        grid=(S // 8,),
        in_specs=[pl.BlockSpec((8, B), lambda i: (i, 0))],
        out_specs=pl.BlockSpec((8, NCH, CHUNK), lambda i: (i, 0, 0)),
        out_shape=jax.ShapeDtypeStruct((S, NCH, CHUNK), jnp.int32),
    )(x)


def _linear_tc(pooled, wt, b2):

    def body(p_ref, w_ref, b_ref, o_ref):
        o_ref[...] = (
            jnp.dot(p_ref[...], w_ref[...], preferred_element_type=jnp.float32)
            + b_ref[...]
        )

    return pl.pallas_call(
        body,
        out_shape=jax.ShapeDtypeStruct((S, 2), jnp.float32),
    )(pooled, wt, b2)


def kernel(x, emb, W, b):
    x3 = _restripe_tc(x.astype(jnp.int32))
    pooled = _fused_sc(emb, x3)
    return _linear_tc(pooled, W.T, b.reshape(1, 2))

# --- scband reference (transcript-rebuilt; emitter-appended) ---
"""Pipeline reference for scband-text-classifier-26061861552475 (READ-ONLY COPY).

The authoritative reference and input builder live on the scoring server;
editing this copy changes nothing except your own understanding.
"""

import jax, jax.numpy as jnp
import numpy as np

VOCAB = 1000000
EMB_DIM = 32
SEQ_LEN = 200
BATCH = 4096
N_CLASSES = 2


def masked_softmax(x, mask):
    x = x - jnp.max(x, axis=1, keepdims=True)
    x = jnp.exp(x)
    x = x * mask
    x = x / jnp.sum(x, axis=1, keepdims=True)
    return x


def setup_inputs(seed: int = 0) -> dict:
    key = jax.random.key(seed)
    k1, k2, k3, k4 = jax.random.split(key, 4)
    # forward arg: token indices of shape (seq_len, batch_size)
    x = jax.random.randint(k1, (SEQ_LEN, BATCH), 0, VOCAB)
    # learned params: pretrained embedding table, linear layer
    emb = jax.random.normal(k2, (VOCAB, EMB_DIM), dtype=jnp.float32)
    W = jax.random.normal(k3, (N_CLASSES, EMB_DIM), dtype=jnp.float32) * (1.0 / np.sqrt(EMB_DIM))
    b = jax.random.uniform(k4, (N_CLASSES,), dtype=jnp.float32, minval=-0.1, maxval=0.1)
    return {"x": x, "emb": emb, "W": W, "b": b}


def reference(x, emb, W, b):
    # x: int[(S, B)] -> embedding lookup -> float[(S, B, D)]
    e = jnp.take(emb, x, axis=0)
    # attention: masked softmax over dim=1 with mask = (e != 0)
    mask = (e != 0).astype(jnp.float32)
    a = masked_softmax(e, mask)
    # mean over dim=1 -> (S, D)
    pooled = jnp.mean(a, axis=1)
    # linear -> (S, 2)
    out = pooled @ W.T + b
    return out

if __name__ == "__main__":
    import jax
    _d = setup_inputs()
    print(jax.jit(kernel)(*tuple(_d.values())))

</pallas_src>

<mosaic_0001>
#map = affine_map<(d0, d1) -> (0, 0)>
#map1 = affine_map<(d0, d1) -> (0, 0, 0)>
module attributes {stable_mosaic.version = 14 : i64} {
  func.func @k(%arg0: i32, %arg1: i32, %arg2: memref<1000000x32xf32, #tpu.memory_space<hbm>>, %arg3: memref<200x32x128xi32, #tpu.memory_space<hbm>>, %arg4: memref<200x32xf32, #tpu.memory_space<hbm>>, %arg5: memref<32x128xi32, #tpu.memory_space<vmem>>, %arg6: memref<2x128x32xf32, #tpu.memory_space<vmem>>, %arg7: memref<4096x16xi32, #tpu.memory_space<vmem>>, %arg8: memref<32xf32, #tpu.memory_space<vmem>>, %arg9: memref<!tpu.dma_semaphore, #tpu.memory_space<semaphore_mem>>, %arg10: memref<!tpu.dma_semaphore, #tpu.memory_space<semaphore_mem>>) attributes {dimension_semantics = [#tpu.dimension_semantics<core_parallel>, #tpu.dimension_semantics<subcore_parallel>], iteration_bounds = array<i64: 2, 16>, scalar_prefetch = 0 : i64, scratch_operands = 6 : i64, tpu.core_type = #tpu.core_type<sc_vector_subcore>, window_params = [{transform_indices = #map}, {transform_indices = #map1}, {transform_indices = #map}]} {
    %mul3A = arith.constant 2 : i32
    %mul3A_0 = arith.muli %arg1, %mul3A : i32
    %add3A = arith.addi %mul3A_0, %arg0 : i32
    %lt3A = arith.constant 8 : i32
    %lt3A_1 = arith.cmpi slt, %add3A, %lt3A : i32
    %jit3A = arith.constant 7 : i32
    %jit3A_2 = arith.constant 6 : i32
    %select_n3A = arith.select %lt3A_1, %jit3A, %jit3A_2 : i32
    %mul3A_3 = arith.constant 6 : i32
    %mul3A_4 = arith.muli %mul3A_3, %add3A : i32
    %min3A = arith.constant 8 : i32
    %min3A_5 = arith.minsi %add3A, %min3A : i32
    %add3A_6 = arith.addi %mul3A_4, %min3A_5 : i32
    %broadcast_in_dim3A = arith.constant -3.400000e+38 : f32
    %broadcast_in_dim3A_7 = vector.broadcast %broadcast_in_dim3A : f32 to vector<16xf32>
    %broadcast_in_dim3A_8 = arith.constant 0.000000e+00 : f32
    %broadcast_in_dim3A_9 = vector.broadcast %broadcast_in_dim3A_8 : f32 to vector<16xf32>
    %broadcast_in_dim3A_10 = arith.constant -65536 : i32
    %broadcast_in_dim3A_11 = vector.broadcast %broadcast_in_dim3A_10 : i32 to vector<16xi32>
    %while3A = arith.constant 0 : i32
    %while3A_12 = arith.constant 0 : i32
    %while3A_13 = arith.subi %select_n3A, %while3A_12 : i32
    %while3A_14 = arith.addi %while3A_12, %while3A_13 : i32
    %while3A_15 = arith.constant 1 : i32
    %while3A_16 = arith.divsi %while3A_13, %while3A_15 : i32
    %while3A_17 = arith.muli %while3A_16, %while3A_15 : i32
    %while3A_18 = arith.addi %while3A_12, %while3A_17 : i32
    %while3A_19 = arith.constant 1 : i32
    scf.for %while3A_21 = %while3A_12 to %while3A_18 step %while3A_19  : i32 {
      %add3A_22 = arith.addi %add3A_6, %while3A_21 : i32
      "tpu.region"() ({
        %run_scoped3A = tpu.sem_alloc : memref<!tpu.dma_semaphore, #tpu.memory_space<semaphore_mem>>
        %dma_start3A_81 = arith.constant 0 : i32
        %dma_start3A_82 = arith.constant 0 : i32
        %dma_start3A_83 = tpu.memref_slice %arg3[%add3A_22, %dma_start3A_81, %dma_start3A_82] : memref<200x32x128xi32, #tpu.memory_space<hbm>> -> memref<1x32x128xi32, #tpu.memory_space<hbm>>
        %dma_start3A_84 = tpu.memref_squeeze %dma_start3A_83 : memref<1x32x128xi32, #tpu.memory_space<hbm>> -> memref<32x128xi32, #tpu.memory_space<hbm>>
        %dma_start3A_85 = arith.constant 0 : i32
        %dma_start3A_86 = arith.constant 0 : i32
        %dma_start3A_87 = tpu.memref_slice %arg3[%add3A_22, %dma_start3A_85, %dma_start3A_86] : memref<200x32x128xi32, #tpu.memory_space<hbm>> -> memref<1x32x128xi32, #tpu.memory_space<hbm>>
        %dma_start3A_88 = tpu.memref_squeeze %dma_start3A_87 : memref<1x32x128xi32, #tpu.memory_space<hbm>> -> memref<32x128xi32, #tpu.memory_space<hbm>>
        tpu.enqueue_dma source(%dma_start3A_88 : memref<32x128xi32, #tpu.memory_space<hbm>>) target(%arg5 : memref<32x128xi32, #tpu.memory_space<vmem>>) target_semaphore(%run_scoped3A : memref<!tpu.dma_semaphore, #tpu.memory_space<semaphore_mem>>)
        %dma_wait3A = arith.constant 0 : i32
        %dma_wait3A_89 = arith.constant 0 : i32
        %dma_wait3A_90 = tpu.memref_slice %arg3[%add3A_22, %dma_wait3A, %dma_wait3A_89] : memref<200x32x128xi32, #tpu.memory_space<hbm>> -> memref<1x32x128xi32, #tpu.memory_space<hbm>>
        %dma_wait3A_91 = tpu.memref_squeeze %dma_wait3A_90 : memref<1x32x128xi32, #tpu.memory_space<hbm>> -> memref<32x128xi32, #tpu.memory_space<hbm>>
        %dma_wait3A_92 = arith.constant 0 : i32
        %dma_wait3A_93 = arith.constant 0 : i32
        %dma_wait3A_94 = tpu.memref_slice %arg3[%add3A_22, %dma_wait3A_92, %dma_wait3A_93] : memref<200x32x128xi32, #tpu.memory_space<hbm>> -> memref<1x32x128xi32, #tpu.memory_space<hbm>>
        %dma_wait3A_95 = tpu.memref_squeeze %dma_wait3A_94 : memref<1x32x128xi32, #tpu.memory_space<hbm>> -> memref<32x128xi32, #tpu.memory_space<hbm>>
        tpu.wait_dma2 semaphore(%run_scoped3A : memref<!tpu.dma_semaphore, #tpu.memory_space<semaphore_mem>>) src(%dma_wait3A_95 : memref<32x128xi32, #tpu.memory_space<hbm>>) dst(%arg5 : memref<32x128xi32, #tpu.memory_space<vmem>>)
        tpu.yield
      }) : () -> ()
      %dma_start3A = arith.constant 0 : i32
      %dma_start3A_23 = arith.constant 0 : i32
      %dma_start3A_24 = arith.constant 0 : i32
      %dma_start3A_25 = arith.constant 0 : i32
      %dma_start3A_26 = tpu.memref_slice %arg6[%dma_start3A_23, %dma_start3A_24, %dma_start3A_25] : memref<2x128x32xf32, #tpu.memory_space<vmem>> -> memref<1x128x32xf32, #tpu.memory_space<vmem>>
      %dma_start3A_27 = tpu.memref_squeeze %dma_start3A_26 : memref<1x128x32xf32, #tpu.memory_space<vmem>> -> memref<128x32xf32, #tpu.memory_space<vmem>>
      %dma_start3A_28 = arith.constant 0 : i32
      %dma_start3A_29 = tpu.memref_slice %arg5[%dma_start3A, %dma_start3A_28] : memref<32x128xi32, #tpu.memory_space<vmem>> -> memref<1x128xi32, #tpu.memory_space<vmem>>
      %dma_start3A_30 = tpu.memref_squeeze %dma_start3A_29 : memref<1x128xi32, #tpu.memory_space<vmem>> -> memref<128xi32, #tpu.memory_space<vmem>>
      %dma_start3A_31 = arith.constant 0 : i32
      %dma_start3A_32 = arith.constant 0 : i32
      %dma_start3A_33 = tpu.memref_slice %arg2[%dma_start3A_31, %dma_start3A_32] : memref<1000000x32xf32, #tpu.memory_space<hbm>> -> memref<1000000x32xf32, #tpu.memory_space<hbm>>
      tpu.enqueue_indirect_dma source(%dma_start3A_33 : memref<1000000x32xf32, #tpu.memory_space<hbm>>) target(%dma_start3A_27 : memref<128x32xf32, #tpu.memory_space<vmem>>) offsets(%dma_start3A_30 : memref<128xi32, #tpu.memory_space<vmem>>) semaphore(%arg9 : memref<!tpu.dma_semaphore, #tpu.memory_space<semaphore_mem>>)
      %dma_start3A_34 = arith.constant 1 : i32
      %dma_start3A_35 = arith.constant 1 : i32
      %dma_start3A_36 = arith.constant 0 : i32
      %dma_start3A_37 = arith.constant 0 : i32
      %dma_start3A_38 = tpu.memref_slice %arg6[%dma_start3A_35, %dma_start3A_36, %dma_start3A_37] : memref<2x128x32xf32, #tpu.memory_space<vmem>> -> memref<1x128x32xf32, #tpu.memory_space<vmem>>
      %dma_start3A_39 = tpu.memref_squeeze %dma_start3A_38 : memref<1x128x32xf32, #tpu.memory_space<vmem>> -> memref<128x32xf32, #tpu.memory_space<vmem>>
      %dma_start3A_40 = arith.constant 0 : i32
      %dma_start3A_41 = tpu.memref_slice %arg5[%dma_start3A_34, %dma_start3A_40] : memref<32x128xi32, #tpu.memory_space<vmem>> -> memref<1x128xi32, #tpu.memory_space<vmem>>
      %dma_start3A_42 = tpu.memref_squeeze %dma_start3A_41 : memref<1x128xi32, #tpu.memory_space<vmem>> -> memref<128xi32, #tpu.memory_space<vmem>>
      %dma_start3A_43 = arith.constant 0 : i32
      %dma_start3A_44 = arith.constant 0 : i32
      %dma_start3A_45 = tpu.memref_slice %arg2[%dma_start3A_43, %dma_start3A_44] : memref<1000000x32xf32, #tpu.memory_space<hbm>> -> memref<1000000x32xf32, #tpu.memory_space<hbm>>
      tpu.enqueue_indirect_dma source(%dma_start3A_45 : memref<1000000x32xf32, #tpu.memory_space<hbm>>) target(%dma_start3A_39 : memref<128x32xf32, #tpu.memory_space<vmem>>) offsets(%dma_start3A_42 : memref<128xi32, #tpu.memory_space<vmem>>) semaphore(%arg10 : memref<!tpu.dma_semaphore, #tpu.memory_space<semaphore_mem>>)
      %scan3A = arith.constant 0 : i32
      %scan3A_46 = arith.constant 16 : i32
      %scan3A_47 = arith.addi %scan3A, %scan3A_46 : i32
      %scan3A_48 = arith.constant 1 : i32
      %scan3A_49:2 = scf.for %scan3A_81 = %scan3A to %scan3A_47 step %scan3A_48 iter_args(%scan3A_82 = %broadcast_in_dim3A_7, %scan3A_83 = %broadcast_in_dim3A_7) -> (vector<16xf32>, vector<16xf32>)  : i32 {
        %mul3A_84 = arith.constant 2 : i32
        %mul3A_85 = arith.muli %mul3A_84, %scan3A_81 : i32
        %add3A_86 = arith.constant 0 : i32
        %add3A_87 = arith.addi %mul3A_85, %add3A_86 : i32
        %dma_wait3A = arith.constant 0 : i32
        %dma_wait3A_88 = arith.constant 0 : i32
        %dma_wait3A_89 = arith.constant 0 : i32
        %dma_wait3A_90 = tpu.memref_slice %arg6[%dma_wait3A, %dma_wait3A_88, %dma_wait3A_89] : memref<2x128x32xf32, #tpu.memory_space<vmem>> -> memref<1x128x32xf32, #tpu.memory_space<vmem>>
        %dma_wait3A_91 = tpu.memref_squeeze %dma_wait3A_90 : memref<1x128x32xf32, #tpu.memory_space<vmem>> -> memref<128x32xf32, #tpu.memory_space<vmem>>
        %dma_wait3A_92 = arith.constant 0 : i32
        %dma_wait3A_93 = arith.constant 0 : i32
        %dma_wait3A_94 = tpu.memref_slice %arg2[%dma_wait3A_92, %dma_wait3A_93] : memref<1000000x32xf32, #tpu.memory_space<hbm>> -> memref<128x32xf32, #tpu.memory_space<hbm>>
        %dma_wait3A_95 = arith.constant 0 : i32
        %dma_wait3A_96 = arith.constant 0 : i32
        %dma_wait3A_97 = tpu.memref_slice %arg6[%dma_wait3A, %dma_wait3A_95, %dma_wait3A_96] : memref<2x128x32xf32, #tpu.memory_space<vmem>> -> memref<1x128x32xf32, #tpu.memory_space<vmem>>
        %dma_wait3A_98 = tpu.memref_squeeze %dma_wait3A_97 : memref<1x128x32xf32, #tpu.memory_space<vmem>> -> memref<128x32xf32, #tpu.memory_space<vmem>>
        %dma_wait3A_99 = arith.constant 0 : i32
        %dma_wait3A_100 = arith.constant 0 : i32
        %dma_wait3A_101 = tpu.memref_slice %arg2[%dma_wait3A_99, %dma_wait3A_100] : memref<1000000x32xf32, #tpu.memory_space<hbm>> -> memref<128x32xf32, #tpu.memory_space<hbm>>
        tpu.wait_dma2 semaphore(%arg9 : memref<!tpu.dma_semaphore, #tpu.memory_space<semaphore_mem>>) src(%dma_wait3A_101 : memref<128x32xf32, #tpu.memory_space<hbm>>) dst(%dma_wait3A_98 : memref<128x32xf32, #tpu.memory_space<vmem>>)
        %scan3A_102 = arith.constant 0 : i32
        %scan3A_103 = arith.constant 0 : i32
        %scan3A_104 = arith.constant 32 : i32
        %scan3A_105 = arith.addi %scan3A_103, %scan3A_104 : i32
        %scan3A_106 = arith.constant 1 : i32
        %scan3A_107:2 = scf.for %scan3A_147 = %scan3A_103 to %scan3A_105 step %scan3A_106 iter_args(%scan3A_148 = %scan3A_82, %scan3A_149 = %scan3A_83) -> (vector<16xf32>, vector<16xf32>)  : i32 {
          %mul3A_150 = arith.constant 4 : i32
          %mul3A_151 = arith.muli %mul3A_150, %scan3A_147 : i32
          %add3A_152 = arith.constant 0 : i32
          %add3A_153 = arith.addi %mul3A_151, %add3A_152 : i32
          %get3A = arith.constant 0 : i32
          %get3A_154 = arith.constant 0 : i32
          %get3A_155 = tpu.memref_slice %arg6[%scan3A_102, %get3A, %get3A_154] : memref<2x128x32xf32, #tpu.memory_space<vmem>> -> memref<1x128x32xf32, #tpu.memory_space<vmem>>
          %get3A_156 = tpu.memref_squeeze %get3A_155 : memref<1x128x32xf32, #tpu.memory_space<vmem>> -> memref<128x32xf32, #tpu.memory_space<vmem>>
          %get3A_157 = arith.index_cast %add3A_153 : i32 to index
          %get3A_158 = arith.constant 0 : index
          %get3A_159 = tpu.vector_load %get3A_156[%get3A_157, %get3A_158] {strides = array<i32>} : memref<128x32xf32, #tpu.memory_space<vmem>>, vector<1x16xf32>,
          %get3A_160 = vector.shape_cast %get3A_159 : vector<1x16xf32> to vector<16xf32>
          %get3A_161 = arith.constant 0 : i32
          %get3A_162 = arith.constant 0 : i32
          %get3A_163 = tpu.memref_slice %arg6[%scan3A_102, %get3A_161, %get3A_162] : memref<2x128x32xf32, #tpu.memory_space<vmem>> -> memref<1x128x32xf32, #tpu.memory_space<vmem>>
          %get3A_164 = tpu.memref_squeeze %get3A_163 : memref<1x128x32xf32, #tpu.memory_space<vmem>> -> memref<128x32xf32, #tpu.memory_space<vmem>>
          %get3A_165 = arith.index_cast %add3A_153 : i32 to index
          %get3A_166 = arith.constant 16 : index
          %get3A_167 = tpu.vector_load %get3A_164[%get3A_165, %get3A_166] {strides = array<i32>} : memref<128x32xf32, #tpu.memory_space<vmem>>, vector<1x16xf32>,
          %get3A_168 = vector.shape_cast %get3A_167 : vector<1x16xf32> to vector<16xf32>
          %max3A = arith.maximumf %scan3A_148, %get3A_160 : vector<16xf32>
          %max3A_169 = arith.maximumf %scan3A_149, %get3A_168 : vector<16xf32>
          %eq3A = arith.constant 0.000000e+00 : f32
          %eq3A_170 = vector.broadcast %eq3A : f32 to vector<16xf32>
          %eq3A_171 = arith.cmpf oeq, %get3A_160, %eq3A_170 : vector<16xf32>
          %jit3A_172 = arith.constant -1.000000e+30 : f32
          %broadcast_in_dim3A_173 = vector.broadcast %jit3A_172 : f32 to vector<16xf32>
          %select_n3A_174 = arith.select %eq3A_171, %broadcast_in_dim3A_173, %get3A_160 : vector<16xi1>, vector<16xf32>
          %eq3A_175 = arith.constant 0.000000e+00 : f32
          %eq3A_176 = vector.broadcast %eq3A_175 : f32 to vector<16xf32>
          %eq3A_177 = arith.cmpf oeq, %get3A_168, %eq3A_176 : vector<16xf32>
          %jit3A_178 = arith.constant -1.000000e+30 : f32
          %broadcast_in_dim3A_179 = vector.broadcast %jit3A_178 : f32 to vector<16xf32>
          %select_n3A_180 = arith.select %eq3A_177, %broadcast_in_dim3A_179, %get3A_168 : vector<16xi1>, vector<16xf32>
          %bitcast_convert_type3A = tpu.bitcast %select_n3A_174 : vector<16xf32> -> vector<16xi32>
          %bitcast_convert_type3A_181 = tpu.bitcast %select_n3A_180 : vector<16xf32> -> vector<16xi32>
          %shift_right_logical3A = arith.constant 16 : i32
          %shift_right_logical3A_182 = vector.broadcast %shift_right_logical3A : i32 to vector<16xi32>
          %shift_right_logical3A_183 = arith.shrui %bitcast_convert_type3A, %shift_right_logical3A_182 : vector<16xi32>
          %and3A = arith.andi %bitcast_convert_type3A_181, %broadcast_in_dim3A_11 : vector<16xi32>
          %or3A = arith.ori %shift_right_logical3A_183, %and3A : vector<16xi32>
          %mul3A_184 = arith.constant 128 : i32
          %mul3A_185 = arith.muli %add3A_87, %mul3A_184 : i32
          %add3A_186 = arith.addi %mul3A_185, %add3A_153 : i32
          %swap3A_187 = arith.index_cast %add3A_186 : i32 to index
          %swap3A_188 = arith.constant 0 : index
          %swap3A_189 = tpu.vector_load %arg7[%swap3A_187, %swap3A_188] {strides = array<i32>} : memref<4096x16xi32, #tpu.memory_space<vmem>>, vector<1x16xi32>,
          %swap3A_190 = vector.shape_cast %swap3A_189 : vector<1x16xi32> to vector<16xi32>
          %swap3A_191 = vector.shape_cast %or3A : vector<16xi32> to vector<1x16xi32>
          tpu.vector_store %arg7[%swap3A_187, %swap3A_188], %swap3A_191 {strides = array<i32>} : memref<4096x16xi32, #tpu.memory_space<vmem>>, vector<1x16xi32>,
          %mul3A_192 = arith.constant 4 : i32
          %mul3A_193 = arith.muli %mul3A_192, %scan3A_147 : i32
          %add3A_194 = arith.constant 1 : i32
          %add3A_195 = arith.addi %mul3A_193, %add3A_194 : i32
          %get3A_196 = arith.constant 0 : i32
          %get3A_197 = arith.constant 0 : i32
          %get3A_198 = tpu.memref_slice %arg6[%scan3A_102, %get3A_196, %get3A_197] : memref<2x128x32xf32, #tpu.memory_space<vmem>> -> memref<1x128x32xf32, #tpu.memory_space<vmem>>
          %get3A_199 = tpu.memref_squeeze %get3A_198 : memref<1x128x32xf32, #tpu.memory_space<vmem>> -> memref<128x32xf32, #tpu.memory_space<vmem>>
          %get3A_200 = arith.index_cast %add3A_195 : i32 to index
          %get3A_201 = arith.constant 0 : index
          %get3A_202 = tpu.vector_load %get3A_199[%get3A_200, %get3A_201] {strides = array<i32>} : memref<128x32xf32, #tpu.memory_space<vmem>>, vector<1x16xf32>,
          %get3A_203 = vector.shape_cast %get3A_202 : vector<1x16xf32> to vector<16xf32>
          %get3A_204 = arith.constant 0 : i32
          %get3A_205 = arith.constant 0 : i32
          %get3A_206 = tpu.memref_slice %arg6[%scan3A_102, %get3A_204, %get3A_205] : memref<2x128x32xf32, #tpu.memory_space<vmem>> -> memref<1x128x32xf32, #tpu.memory_space<vmem>>
          %get3A_207 = tpu.memref_squeeze %get3A_206 : memref<1x128x32xf32, #tpu.memory_space<vmem>> -> memref<128x32xf32, #tpu.memory_space<vmem>>
          %get3A_208 = arith.index_cast %add3A_195 : i32 to index
          %get3A_209 = arith.constant 16 : index
          %get3A_210 = tpu.vector_load %get3A_207[%get3A_208, %get3A_209] {strides = array<i32>} : memref<128x32xf32, #tpu.memory_space<vmem>>, vector<1x16xf32>,
          %get3A_211 = vector.shape_cast %get3A_210 : vector<1x16xf32> to vector<16xf32>
          %max3A_212 = arith.maximumf %max3A, %get3A_203 : vector<16xf32>
          %max3A_213 = arith.maximumf %max3A_169, %get3A_211 : vector<16xf32>
          %eq3A_214 = arith.constant 0.000000e+00 : f32
          %eq3A_215 = vector.broadcast %eq3A_214 : f32 to vector<16xf32>
          %eq3A_216 = arith.cmpf oeq, %get3A_203, %eq3A_215 : vector<16xf32>
          %jit3A_217 = arith.constant -1.000000e+30 : f32
          %broadcast_in_dim3A_218 = vector.broadcast %jit3A_217 : f32 to vector<16xf32>
          %select_n3A_219 = arith.select %eq3A_216, %broadcast_in_dim3A_218, %get3A_203 : vector<16xi1>, vector<16xf32>
          %eq3A_220 = arith.constant 0.000000e+00 : f32
          %eq3A_221 = vector.broadcast %eq3A_220 : f32 to vector<16xf32>
          %eq3A_222 = arith.cmpf oeq, %get3A_211, %eq3A_221 : vector<16xf32>
          %jit3A_223 = arith.constant -1.000000e+30 : f32
          %broadcast_in_dim3A_224 = vector.broadcast %jit3A_223 : f32 to vector<16xf32>
          %select_n3A_225 = arith.select %eq3A_222, %broadcast_in_dim3A_224, %get3A_211 : vector<16xi1>, vector<16xf32>
          %bitcast_convert_type3A_226 = tpu.bitcast %select_n3A_219 : vector<16xf32> -> vector<16xi32>
          %bitcast_convert_type3A_227 = tpu.bitcast %select_n3A_225 : vector<16xf32> -> vector<16xi32>
          %shift_right_logical3A_228 = arith.constant 16 : i32
          %shift_right_logical3A_229 = vector.broadcast %shift_right_logical3A_228 : i32 to vector<16xi32>
          %shift_right_logical3A_230 = arith.shrui %bitcast_convert_type3A_226, %shift_right_logical3A_229 : vector<16xi32>
          %and3A_231 = arith.andi %bitcast_convert_type3A_227, %broadcast_in_dim3A_11 : vector<16xi32>
          %or3A_232 = arith.ori %shift_right_logical3A_230, %and3A_231 : vector<16xi32>
          %mul3A_233 = arith.constant 128 : i32
          %mul3A_234 = arith.muli %add3A_87, %mul3A_233 : i32
          %add3A_235 = arith.addi %mul3A_234, %add3A_195 : i32
          %swap3A_236 = arith.index_cast %add3A_235 : i32 to index
          %swap3A_237 = arith.constant 0 : index
          %swap3A_238 = tpu.vector_load %arg7[%swap3A_236, %swap3A_237] {strides = array<i32>} : memref<4096x16xi32, #tpu.memory_space<vmem>>, vector<1x16xi32>,
          %swap3A_239 = vector.shape_cast %swap3A_238 : vector<1x16xi32> to vector<16xi32>
          %swap3A_240 = vector.shape_cast %or3A_232 : vector<16xi32> to vector<1x16xi32>
          tpu.vector_store %arg7[%swap3A_236, %swap3A_237], %swap3A_240 {strides = array<i32>} : memref<4096x16xi32, #tpu.memory_space<vmem>>, vector<1x16xi32>,
          %mul3A_241 = arith.constant 4 : i32
          %mul3A_242 = arith.muli %mul3A_241, %scan3A_147 : i32
          %add3A_243 = arith.constant 2 : i32
          %add3A_244 = arith.addi %mul3A_242, %add3A_243 : i32
          %get3A_245 = arith.constant 0 : i32
          %get3A_246 = arith.constant 0 : i32
          %get3A_247 = tpu.memref_slice %arg6[%scan3A_102, %get3A_245, %get3A_246] : memref<2x128x32xf32, #tpu.memory_space<vmem>> -> memref<1x128x32xf32, #tpu.memory_space<vmem>>
          %get3A_248 = tpu.memref_squeeze %get3A_247 : memref<1x128x32xf32, #tpu.memory_space<vmem>> -> memref<128x32xf32, #tpu.memory_space<vmem>>
          %get3A_249 = arith.index_cast %add3A_244 : i32 to index
          %get3A_250 = arith.constant 0 : index
          %get3A_251 = tpu.vector_load %get3A_248[%get3A_249, %get3A_250] {strides = array<i32>} : memref<128x32xf32, #tpu.memory_space<vmem>>, vector<1x16xf32>,
          %get3A_252 = vector.shape_cast %get3A_251 : vector<1x16xf32> to vector<16xf32>
          %get3A_253 = arith.constant 0 : i32
          %get3A_254 = arith.constant 0 : i32
          %get3A_255 = tpu.memref_slice %arg6[%scan3A_102, %get3A_253, %get3A_254] : memref<2x128x32xf32, #tpu.memory_space<vmem>> -> memref<1x128x32xf32, #tpu.memory_space<vmem>>
          %get3A_256 = tpu.memref_squeeze %get3A_255 : memref<1x128x32xf32, #tpu.memory_space<vmem>> -> memref<128x32xf32, #tpu.memory_space<vmem>>
          %get3A_257 = arith.index_cast %add3A_244 : i32 to index
          %get3A_258 = arith.constant 16 : index
          %get3A_259 = tpu.vector_load %get3A_256[%get3A_257, %get3A_258] {strides = array<i32>} : memref<128x32xf32, #tpu.memory_space<vmem>>, vector<1x16xf32>,
          %get3A_260 = vector.shape_cast %get3A_259 : vector<1x16xf32> to vector<16xf32>
          %max3A_261 = arith.maximumf %max3A_212, %get3A_252 : vector<16xf32>
          %max3A_262 = arith.maximumf %max3A_213, %get3A_260 : vector<16xf32>
          %eq3A_263 = arith.constant 0.000000e+00 : f32
          %eq3A_264 = vector.broadcast %eq3A_263 : f32 to vector<16xf32>
          %eq3A_265 = arith.cmpf oeq, %get3A_252, %eq3A_264 : vector<16xf32>
          %jit3A_266 = arith.constant -1.000000e+30 : f32
          %broadcast_in_dim3A_267 = vector.broadcast %jit3A_266 : f32 to vector<16xf32>
          %select_n3A_268 = arith.select %eq3A_265, %broadcast_in_dim3A_267, %get3A_252 : vector<16xi1>, vector<16xf32>
          %eq3A_269 = arith.constant 0.000000e+00 : f32
          %eq3A_270 = vector.broadcast %eq3A_269 : f32 to vector<16xf32>
          %eq3A_271 = arith.cmpf oeq, %get3A_260, %eq3A_270 : vector<16xf32>
          %jit3A_272 = arith.constant -1.000000e+30 : f32
          %broadcast_in_dim3A_273 = vector.broadcast %jit3A_272 : f32 to vector<16xf32>
          %select_n3A_274 = arith.select %eq3A_271, %broadcast_in_dim3A_273, %get3A_260 : vector<16xi1>, vector<16xf32>
          %bitcast_convert_type3A_275 = tpu.bitcast %select_n3A_268 : vector<16xf32> -> vector<16xi32>
          %bitcast_convert_type3A_276 = tpu.bitcast %select_n3A_274 : vector<16xf32> -> vector<16xi32>
          %shift_right_logical3A_277 = arith.constant 16 : i32
          %shift_right_logical3A_278 = vector.broadcast %shift_right_logical3A_277 : i32 to vector<16xi32>
          %shift_right_logical3A_279 = arith.shrui %bitcast_convert_type3A_275, %shift_right_logical3A_278 : vector<16xi32>
          %and3A_280 = arith.andi %bitcast_convert_type3A_276, %broadcast_in_dim3A_11 : vector<16xi32>
          %or3A_281 = arith.ori %shift_right_logical3A_279, %and3A_280 : vector<16xi32>
          %mul3A_282 = arith.constant 128 : i32
          %mul3A_283 = arith.muli %add3A_87, %mul3A_282 : i32
          %add3A_284 = arith.addi %mul3A_283, %add3A_244 : i32
          %swap3A_285 = arith.index_cast %add3A_284 : i32 to index
          %swap3A_286 = arith.constant 0 : index
          %swap3A_287 = tpu.vector_load %arg7[%swap3A_285, %swap3A_286] {strides = array<i32>} : memref<4096x16xi32, #tpu.memory_space<vmem>>, vector<1x16xi32>,
          %swap3A_288 = vector.shape_cast %swap3A_287 : vector<1x16xi32> to vector<16xi32>
          %swap3A_289 = vector.shape_cast %or3A_281 : vector<16xi32> to vector<1x16xi32>
          tpu.vector_store %arg7[%swap3A_285, %swap3A_286], %swap3A_289 {strides = array<i32>} : memref<4096x16xi32, #tpu.memory_space<vmem>>, vector<1x16xi32>,
          %mul3A_290 = arith.constant 4 : i32
          %mul3A_291 = arith.muli %mul3A_290, %scan3A_147 : i32
          %add3A_292 = arith.constant 3 : i32
          %add3A_293 = arith.addi %mul3A_291, %add3A_292 : i32
          %get3A_294 = arith.constant 0 : i32
          %get3A_295 = arith.constant 0 : i32
          %get3A_296 = tpu.memref_slice %arg6[%scan3A_102, %get3A_294, %get3A_295] : memref<2x128x32xf32, #tpu.memory_space<vmem>> -> memref<1x128x32xf32, #tpu.memory_space<vmem>>
          %get3A_297 = tpu.memref_squeeze %get3A_296 : memref<1x128x32xf32, #tpu.memory_space<vmem>> -> memref<128x32xf32, #tpu.memory_space<vmem>>
          %get3A_298 = arith.index_cast %add3A_293 : i32 to index
          %get3A_299 = arith.constant 0 : index
          %get3A_300 = tpu.vector_load %get3A_297[%get3A_298, %get3A_299] {strides = array<i32>} : memref<128x32xf32, #tpu.memory_space<vmem>>, vector<1x16xf32>,
          %get3A_301 = vector.shape_cast %get3A_300 : vector<1x16xf32> to vector<16xf32>
          %get3A_302 = arith.constant 0 : i32
          %get3A_303 = arith.constant 0 : i32
          %get3A_304 = tpu.memref_slice %arg6[%scan3A_102, %get3A_302, %get3A_303] : memref<2x128x32xf32, #tpu.memory_space<vmem>> -> memref<1x128x32xf32, #tpu.memory_space<vmem>>
          %get3A_305 = tpu.memref_squeeze %get3A_304 : memref<1x128x32xf32, #tpu.memory_space<vmem>> -> memref<128x32xf32, #tpu.memory_space<vmem>>
          %get3A_306 = arith.index_cast %add3A_293 : i32 to index
          %get3A_307 = arith.constant 16 : index
          %get3A_308 = tpu.vector_load %get3A_305[%get3A_306, %get3A_307] {strides = array<i32>} : memref<128x32xf32, #tpu.memory_space<vmem>>, vector<1x16xf32>,
          %get3A_309 = vector.shape_cast %get3A_308 : vector<1x16xf32> to vector<16xf32>
          %max3A_310 = arith.maximumf %max3A_261, %get3A_301 : vector<16xf32>
          %max3A_311 = arith.maximumf %max3A_262, %get3A_309 : vector<16xf32>
          %eq3A_312 = arith.constant 0.000000e+00 : f32
          %eq3A_313 = vector.broadcast %eq3A_312 : f32 to vector<16xf32>
          %eq3A_314 = arith.cmpf oeq, %get3A_301, %eq3A_313 : vector<16xf32>
          %jit3A_315 = arith.constant -1.000000e+30 : f32
          %broadcast_in_dim3A_316 = vector.broadcast %jit3A_315 : f32 to vector<16xf32>
          %select_n3A_317 = arith.select %eq3A_314, %broadcast_in_dim3A_316, %get3A_301 : vector<16xi1>, vector<16xf32>
          %eq3A_318 = arith.constant 0.000000e+00 : f32
          %eq3A_319 = vector.broadcast %eq3A_318 : f32 to vector<16xf32>
          %eq3A_320 = arith.cmpf oeq, %get3A_309, %eq3A_319 : vector<16xf32>
          %jit3A_321 = arith.constant -1.000000e+30 : f32
          %broadcast_in_dim3A_322 = vector.broadcast %jit3A_321 : f32 to vector<16xf32>
          %select_n3A_323 = arith.select %eq3A_320, %broadcast_in_dim3A_322, %get3A_309 : vector<16xi1>, vector<16xf32>
          %bitcast_convert_type3A_324 = tpu.bitcast %select_n3A_317 : vector<16xf32> -> vector<16xi32>
          %bitcast_convert_type3A_325 = tpu.bitcast %select_n3A_323 : vector<16xf32> -> vector<16xi32>
          %shift_right_logical3A_326 = arith.constant 16 : i32
          %shift_right_logical3A_327 = vector.broadcast %shift_right_logical3A_326 : i32 to vector<16xi32>
          %shift_right_logical3A_328 = arith.shrui %bitcast_convert_type3A_324, %shift_right_logical3A_327 : vector<16xi32>
          %and3A_329 = arith.andi %bitcast_convert_type3A_325, %broadcast_in_dim3A_11 : vector<16xi32>
          %or3A_330 = arith.ori %shift_right_logical3A_328, %and3A_329 : vector<16xi32>
          %mul3A_331 = arith.constant 128 : i32
          %mul3A_332 = arith.muli %add3A_87, %mul3A_331 : i32
          %add3A_333 = arith.addi %mul3A_332, %add3A_293 : i32
          %swap3A_334 = arith.index_cast %add3A_333 : i32 to index
          %swap3A_335 = arith.constant 0 : index
          %swap3A_336 = tpu.vector_load %arg7[%swap3A_334, %swap3A_335] {strides = array<i32>} : memref<4096x16xi32, #tpu.memory_space<vmem>>, vector<1x16xi32>,
          %swap3A_337 = vector.shape_cast %swap3A_336 : vector<1x16xi32> to vector<16xi32>
          %swap3A_338 = vector.shape_cast %or3A_330 : vector<16xi32> to vector<1x16xi32>
          tpu.vector_store %arg7[%swap3A_334, %swap3A_335], %swap3A_338 {strides = array<i32>} : memref<4096x16xi32, #tpu.memory_space<vmem>>, vector<1x16xi32>,
          scf.yield %max3A_310, %max3A_311 : vector<16xf32>, vector<16xf32>
        }
        %scan3A_108 = arith.constant 32 : i32
        %add3A_109 = arith.constant 2 : i32
        %add3A_110 = arith.addi %add3A_87, %add3A_109 : i32
        %lt3A_111 = arith.constant 32 : i32
        %lt3A_112 = arith.cmpi slt, %add3A_110, %lt3A_111 : i32
        %convert_element_type3A = arith.extui %lt3A_112 : i1 to i32
        %cond3A = arith.constant 0 : i32
        %cond3A_113 = arith.cmpi ne, %convert_element_type3A, %cond3A : i32
        scf.if %cond3A_113 {
          %add3A_147 = arith.constant 2 : i32
          %add3A_148 = arith.addi %add3A_87, %add3A_147 : i32
          %dma_start3A_149 = arith.constant 0 : i32
          %dma_start3A_150 = arith.constant 0 : i32
          %dma_start3A_151 = arith.constant 0 : i32
          %dma_start3A_152 = tpu.memref_slice %arg6[%dma_start3A_149, %dma_start3A_150, %dma_start3A_151] : memref<2x128x32xf32, #tpu.memory_space<vmem>> -> memref<1x128x32xf32, #tpu.memory_space<vmem>>
          %dma_start3A_153 = tpu.memref_squeeze %dma_start3A_152 : memref<1x128x32xf32, #tpu.memory_space<vmem>> -> memref<128x32xf32, #tpu.memory_space<vmem>>
          %dma_start3A_154 = arith.constant 0 : i32
          %dma_start3A_155 = tpu.memref_slice %arg5[%add3A_148, %dma_start3A_154] : memref<32x128xi32, #tpu.memory_space<vmem>> -> memref<1x128xi32, #tpu.memory_space<vmem>>
          %dma_start3A_156 = tpu.memref_squeeze %dma_start3A_155 : memref<1x128xi32, #tpu.memory_space<vmem>> -> memref<128xi32, #tpu.memory_space<vmem>>
          %dma_start3A_157 = arith.constant 0 : i32
          %dma_start3A_158 = arith.constant 0 : i32
          %dma_start3A_159 = tpu.memref_slice %arg2[%dma_start3A_157, %dma_start3A_158] : memref<1000000x32xf32, #tpu.memory_space<hbm>> -> memref<1000000x32xf32, #tpu.memory_space<hbm>>
          tpu.enqueue_indirect_dma source(%dma_start3A_159 : memref<1000000x32xf32, #tpu.memory_space<hbm>>) target(%dma_start3A_153 : memref<128x32xf32, #tpu.memory_space<vmem>>) offsets(%dma_start3A_156 : memref<128xi32, #tpu.memory_space<vmem>>) semaphore(%arg9 : memref<!tpu.dma_semaphore, #tpu.memory_space<semaphore_mem>>)
        } else {
        }
        %mul3A_114 = arith.constant 2 : i32
        %mul3A_115 = arith.muli %mul3A_114, %scan3A_81 : i32
        %add3A_116 = arith.constant 1 : i32
        %add3A_117 = arith.addi %mul3A_115, %add3A_116 : i32
        %dma_wait3A_118 = arith.constant 1 : i32
        %dma_wait3A_119 = arith.constant 0 : i32
        %dma_wait3A_120 = arith.constant 0 : i32
        %dma_wait3A_121 = tpu.memref_slice %arg6[%dma_wait3A_118, %dma_wait3A_119, %dma_wait3A_120] : memref<2x128x32xf32, #tpu.memory_space<vmem>> -> memref<1x128x32xf32, #tpu.memory_space<vmem>>
        %dma_wait3A_122 = tpu.memref_squeeze %dma_wait3A_121 : memref<1x128x32xf32, #tpu.memory_space<vmem>> -> memref<128x32xf32, #tpu.memory_space<vmem>>
        %dma_wait3A_123 = arith.constant 0 : i32
        %dma_wait3A_124 = arith.constant 0 : i32
        %dma_wait3A_125 = tpu.memref_slice %arg2[%dma_wait3A_123, %dma_wait3A_124] : memref<1000000x32xf32, #tpu.memory_space<hbm>> -> memref<128x32xf32, #tpu.memory_space<hbm>>
        %dma_wait3A_126 = arith.constant 0 : i32
        %dma_wait3A_127 = arith.constant 0 : i32
        %dma_wait3A_128 = tpu.memref_slice %arg6[%dma_wait3A_118, %dma_wait3A_126, %dma_wait3A_127] : memref<2x128x32xf32, #tpu.memory_space<vmem>> -> memref<1x128x32xf32, #tpu.memory_space<vmem>>
        %dma_wait3A_129 = tpu.memref_squeeze %dma_wait3A_128 : memref<1x128x32xf32, #tpu.memory_space<vmem>> -> memref<128x32xf32, #tpu.memory_space<vmem>>
        %dma_wait3A_130 = arith.constant 0 : i32
        %dma_wait3A_131 = arith.constant 0 : i32
        %dma_wait3A_132 = tpu.memref_slice %arg2[%dma_wait3A_130, %dma_wait3A_131] : memref<1000000x32xf32, #tpu.memory_space<hbm>> -> memref<128x32xf32, #tpu.memory_space<hbm>>
        tpu.wait_dma2 semaphore(%arg10 : memref<!tpu.dma_semaphore, #tpu.memory_space<semaphore_mem>>) src(%dma_wait3A_132 : memref<128x32xf32, #tpu.memory_space<hbm>>) dst(%dma_wait3A_129 : memref<128x32xf32, #tpu.memory_space<vmem>>)
        %scan3A_133 = arith.constant 1 : i32
        %scan3A_134 = arith.constant 0 : i32
        %scan3A_135 = arith.constant 32 : i32
        %scan3A_136 = arith.addi %scan3A_134, %scan3A_135 : i32
        %scan3A_137 = arith.constant 1 : i32
        %scan3A_138:2 = scf.for %scan3A_147 = %scan3A_134 to %scan3A_136 step %scan3A_137 iter_args(%scan3A_148 = %scan3A_107#0, %scan3A_149 = %scan3A_107#1) -> (vector<16xf32>, vector<16xf32>)  : i32 {
          %mul3A_150 = arith.constant 4 : i32
          %mul3A_151 = arith.muli %mul3A_150, %scan3A_147 : i32
          %add3A_152 = arith.constant 0 : i32
          %add3A_153 = arith.addi %mul3A_151, %add3A_152 : i32
          %get3A = arith.constant 0 : i32
          %get3A_154 = arith.constant 0 : i32
          %get3A_155 = tpu.memref_slice %arg6[%scan3A_133, %get3A, %get3A_154] : memref<2x128x32xf32, #tpu.memory_space<vmem>> -> memref<1x128x32xf32, #tpu.memory_space<vmem>>
          %get3A_156 = tpu.memref_squeeze %get3A_155 : memref<1x128x32xf32, #tpu.memory_space<vmem>> -> memref<128x32xf32, #tpu.memory_space<vmem>>
          %get3A_157 = arith.index_cast %add3A_153 : i32 to index
          %get3A_158 = arith.constant 0 : index
          %get3A_159 = tpu.vector_load %get3A_156[%get3A_157, %get3A_158] {strides = array<i32>} : memref<128x32xf32, #tpu.memory_space<vmem>>, vector<1x16xf32>,
          %get3A_160 = vector.shape_cast %get3A_159 : vector<1x16xf32> to vector<16xf32>
          %get3A_161 = arith.constant 0 : i32
          %get3A_162 = arith.constant 0 : i32
          %get3A_163 = tpu.memref_slice %arg6[%scan3A_133, %get3A_161, %get3A_162] : memref<2x128x32xf32, #tpu.memory_space<vmem>> -> memref<1x128x32xf32, #tpu.memory_space<vmem>>
          %get3A_164 = tpu.memref_squeeze %get3A_163 : memref<1x128x32xf32, #tpu.memory_space<vmem>> -> memref<128x32xf32, #tpu.memory_space<vmem>>
          %get3A_165 = arith.index_cast %add3A_153 : i32 to index
          %get3A_166 = arith.constant 16 : index
          %get3A_167 = tpu.vector_load %get3A_164[%get3A_165, %get3A_166] {strides = array<i32>} : memref<128x32xf32, #tpu.memory_space<vmem>>, vector<1x16xf32>,
          %get3A_168 = vector.shape_cast %get3A_167 : vector<1x16xf32> to vector<16xf32>
          %max3A = arith.maximumf %scan3A_148, %get3A_160 : vector<16xf32>
          %max3A_169 = arith.maximumf %scan3A_149, %get3A_168 : vector<16xf32>
          %eq3A = arith.constant 0.000000e+00 : f32
          %eq3A_170 = vector.broadcast %eq3A : f32 to vector<16xf32>
          %eq3A_171 = arith.cmpf oeq, %get3A_160, %eq3A_170 : vector<16xf32>
          %jit3A_172 = arith.constant -1.000000e+30 : f32
          %broadcast_in_dim3A_173 = vector.broadcast %jit3A_172 : f32 to vector<16xf32>
          %select_n3A_174 = arith.select %eq3A_171, %broadcast_in_dim3A_173, %get3A_160 : vector<16xi1>, vector<16xf32>
          %eq3A_175 = arith.constant 0.000000e+00 : f32
          %eq3A_176 = vector.broadcast %eq3A_175 : f32 to vector<16xf32>
          %eq3A_177 = arith.cmpf oeq, %get3A_168, %eq3A_176 : vector<16xf32>
          %jit3A_178 = arith.constant -1.000000e+30 : f32
          %broadcast_in_dim3A_179 = vector.broadcast %jit3A_178 : f32 to vector<16xf32>
          %select_n3A_180 = arith.select %eq3A_177, %broadcast_in_dim3A_179, %get3A_168 : vector<16xi1>, vector<16xf32>
          %bitcast_convert_type3A = tpu.bitcast %select_n3A_174 : vector<16xf32> -> vector<16xi32>
          %bitcast_convert_type3A_181 = tpu.bitcast %select_n3A_180 : vector<16xf32> -> vector<16xi32>
          %shift_right_logical3A = arith.constant 16 : i32
          %shift_right_logical3A_182 = vector.broadcast %shift_right_logical3A : i32 to vector<16xi32>
          %shift_right_logical3A_183 = arith.shrui %bitcast_convert_type3A, %shift_right_logical3A_182 : vector<16xi32>
          %and3A = arith.andi %bitcast_convert_type3A_181, %broadcast_in_dim3A_11 : vector<16xi32>
          %or3A = arith.ori %shift_right_logical3A_183, %and3A : vector<16xi32>
          %mul3A_184 = arith.constant 128 : i32
          %mul3A_185 = arith.muli %add3A_117, %mul3A_184 : i32
          %add3A_186 = arith.addi %mul3A_185, %add3A_153 : i32
          %swap3A_187 = arith.index_cast %add3A_186 : i32 to index
          %swap3A_188 = arith.constant 0 : index
          %swap3A_189 = tpu.vector_load %arg7[%swap3A_187, %swap3A_188] {strides = array<i32>} : memref<4096x16xi32, #tpu.memory_space<vmem>>, vector<1x16xi32>,
          %swap3A_190 = vector.shape_cast %swap3A_189 : vector<1x16xi32> to vector<16xi32>
          %swap3A_191 = vector.shape_cast %or3A : vector<16xi32> to vector<1x16xi32>
          tpu.vector_store %arg7[%swap3A_187, %swap3A_188], %swap3A_191 {strides = array<i32>} : memref<4096x16xi32, #tpu.memory_space<vmem>>, vector<1x16xi32>,
          %mul3A_192 = arith.constant 4 : i32
          %mul3A_193 = arith.muli %mul3A_192, %scan3A_147 : i32
          %add3A_194 = arith.constant 1 : i32
          %add3A_195 = arith.addi %mul3A_193, %add3A_194 : i32
          %get3A_196 = arith.constant 0 : i32
          %get3A_197 = arith.constant 0 : i32
          %get3A_198 = tpu.memref_slice %arg6[%scan3A_133, %get3A_196, %get3A_197] : memref<2x128x32xf32, #tpu.memory_space<vmem>> -> memref<1x128x32xf32, #tpu.memory_space<vmem>>
          %get3A_199 = tpu.memref_squeeze %get3A_198 : memref<1x128x32xf32, #tpu.memory_space<vmem>> -> memref<128x32xf32, #tpu.memory_space<vmem>>
          %get3A_200 = arith.index_cast %add3A_195 : i32 to index
          %get3A_201 = arith.constant 0 : index
          %get3A_202 = tpu.vector_load %get3A_199[%get3A_200, %get3A_201] {strides = array<i32>} : memref<128x32xf32, #tpu.memory_space<vmem>>, vector<1x16xf32>,
          %get3A_203 = vector.shape_cast %get3A_202 : vector<1x16xf32> to vector<16xf32>
          %get3A_204 = arith.constant 0 : i32
          %get3A_205 = arith.constant 0 : i32
          %get3A_206 = tpu.memref_slice %arg6[%scan3A_133, %get3A_204, %get3A_205] : memref<2x128x32xf32, #tpu.memory_space<vmem>> -> memref<1x128x32xf32, #tpu.memory_space<vmem>>
          %get3A_207 = tpu.memref_squeeze %get3A_206 : memref<1x128x32xf32, #tpu.memory_space<vmem>> -> memref<128x32xf32, #tpu.memory_space<vmem>>
          %get3A_208 = arith.index_cast %add3A_195 : i32 to index
          %get3A_209 = arith.constant 16 : index
          %get3A_210 = tpu.vector_load %get3A_207[%get3A_208, %get3A_209] {strides = array<i32>} : memref<128x32xf32, #tpu.memory_space<vmem>>, vector<1x16xf32>,
          %get3A_211 = vector.shape_cast %get3A_210 : vector<1x16xf32> to vector<16xf32>
          %max3A_212 = arith.maximumf %max3A, %get3A_203 : vector<16xf32>
          %max3A_213 = arith.maximumf %max3A_169, %get3A_211 : vector<16xf32>
          %eq3A_214 = arith.constant 0.000000e+00 : f32
          %eq3A_215 = vector.broadcast %eq3A_214 : f32 to vector<16xf32>
          %eq3A_216 = arith.cmpf oeq, %get3A_203, %eq3A_215 : vector<16xf32>
          %jit3A_217 = arith.constant -1.000000e+30 : f32
          %broadcast_in_dim3A_218 = vector.broadcast %jit3A_217 : f32 to vector<16xf32>
          %select_n3A_219 = arith.select %eq3A_216, %broadcast_in_dim3A_218, %get3A_203 : vector<16xi1>, vector<16xf32>
          %eq3A_220 = arith.constant 0.000000e+00 : f32
          %eq3A_221 = vector.broadcast %eq3A_220 : f32 to vector<16xf32>
          %eq3A_222 = arith.cmpf oeq, %get3A_211, %eq3A_221 : vector<16xf32>
          %jit3A_223 = arith.constant -1.000000e+30 : f32
          %broadcast_in_dim3A_224 = vector.broadcast %jit3A_223 : f32 to vector<16xf32>
          %select_n3A_225 = arith.select %eq3A_222, %broadcast_in_dim3A_224, %get3A_211 : vector<16xi1>, vector<16xf32>
          %bitcast_convert_type3A_226 = tpu.bitcast %select_n3A_219 : vector<16xf32> -> vector<16xi32>
          %bitcast_convert_type3A_227 = tpu.bitcast %select_n3A_225 : vector<16xf32> -> vector<16xi32>
          %shift_right_logical3A_228 = arith.constant 16 : i32
          %shift_right_logical3A_229 = vector.broadcast %shift_right_logical3A_228 : i32 to vector<16xi32>
          %shift_right_logical3A_230 = arith.shrui %bitcast_convert_type3A_226, %shift_right_logical3A_229 : vector<16xi32>
          %and3A_231 = arith.andi %bitcast_convert_type3A_227, %broadcast_in_dim3A_11 : vector<16xi32>
          %or3A_232 = arith.ori %shift_right_logical3A_230, %and3A_231 : vector<16xi32>
          %mul3A_233 = arith.constant 128 : i32
          %mul3A_234 = arith.muli %add3A_117, %mul3A_233 : i32
          %add3A_235 = arith.addi %mul3A_234, %add3A_195 : i32
          %swap3A_236 = arith.index_cast %add3A_235 : i32 to index
          %swap3A_237 = arith.constant 0 : index
          %swap3A_238 = tpu.vector_load %arg7[%swap3A_236, %swap3A_237] {strides = array<i32>} : memref<4096x16xi32, #tpu.memory_space<vmem>>, vector<1x16xi32>,
          %swap3A_239 = vector.shape_cast %swap3A_238 : vector<1x16xi32> to vector<16xi32>
          %swap3A_240 = vector.shape_cast %or3A_232 : vector<16xi32> to vector<1x16xi32>
          tpu.vector_store %arg7[%swap3A_236, %swap3A_237], %swap3A_240 {strides = array<i32>} : memref<4096x16xi32, #tpu.memory_space<vmem>>, vector<1x16xi32>,
          %mul3A_241 = arith.constant 4 : i32
          %mul3A_242 = arith.muli %mul3A_241, %scan3A_147 : i32
          %add3A_243 = arith.constant 2 : i32
          %add3A_244 = arith.addi %mul3A_242, %add3A_243 : i32
          %get3A_245 = arith.constant 0 : i32
          %get3A_246 = arith.constant 0 : i32
          %get3A_247 = tpu.memref_slice %arg6[%scan3A_133, %get3A_245, %get3A_246] : memref<2x128x32xf32, #tpu.memory_space<vmem>> -> memref<1x128x32xf32, #tpu.memory_space<vmem>>
          %get3A_248 = tpu.memref_squeeze %get3A_247 : memref<1x128x32xf32, #tpu.memory_space<vmem>> -> memref<128x32xf32, #tpu.memory_space<vmem>>
          %get3A_249 = arith.index_cast %add3A_244 : i32 to index
          %get3A_250 = arith.constant 0 : index
          %get3A_251 = tpu.vector_load %get3A_248[%get3A_249, %get3A_250] {strides = array<i32>} : memref<128x32xf32, #tpu.memory_space<vmem>>, vector<1x16xf32>,
          %get3A_252 = vector.shape_cast %get3A_251 : vector<1x16xf32> to vector<16xf32>
          %get3A_253 = arith.constant 0 : i32
          %get3A_254 = arith.constant 0 : i32
          %get3A_255 = tpu.memref_slice %arg6[%scan3A_133, %get3A_253, %get3A_254] : memref<2x128x32xf32, #tpu.memory_space<vmem>> -> memref<1x128x32xf32, #tpu.memory_space<vmem>>
          %get3A_256 = tpu.memref_squeeze %get3A_255 : memref<1x128x32xf32, #tpu.memory_space<vmem>> -> memref<128x32xf32, #tpu.memory_space<vmem>>
          %get3A_257 = arith.index_cast %add3A_244 : i32 to index
          %get3A_258 = arith.constant 16 : index
          %get3A_259 = tpu.vector_load %get3A_256[%get3A_257, %get3A_258] {strides = array<i32>} : memref<128x32xf32, #tpu.memory_space<vmem>>, vector<1x16xf32>,
          %get3A_260 = vector.shape_cast %get3A_259 : vector<1x16xf32> to vector<16xf32>
          %max3A_261 = arith.maximumf %max3A_212, %get3A_252 : vector<16xf32>
          %max3A_262 = arith.maximumf %max3A_213, %get3A_260 : vector<16xf32>
          %eq3A_263 = arith.constant 0.000000e+00 : f32
          %eq3A_264 = vector.broadcast %eq3A_263 : f32 to vector<16xf32>
          %eq3A_265 = arith.cmpf oeq, %get3A_252, %eq3A_264 : vector<16xf32>
          %jit3A_266 = arith.constant -1.000000e+30 : f32
          %broadcast_in_dim3A_267 = vector.broadcast %jit3A_266 : f32 to vector<16xf32>
          %select_n3A_268 = arith.select %eq3A_265, %broadcast_in_dim3A_267, %get3A_252 : vector<16xi1>, vector<16xf32>
          %eq3A_269 = arith.constant 0.000000e+00 : f32
          %eq3A_270 = vector.broadcast %eq3A_269 : f32 to vector<16xf32>
          %eq3A_271 = arith.cmpf oeq, %get3A_260, %eq3A_270 : vector<16xf32>
          %jit3A_272 = arith.constant -1.000000e+30 : f32
          %broadcast_in_dim3A_273 = vector.broadcast %jit3A_272 : f32 to vector<16xf32>
          %select_n3A_274 = arith.select %eq3A_271, %broadcast_in_dim3A_273, %get3A_260 : vector<16xi1>, vector<16xf32>
          %bitcast_convert_type3A_275 = tpu.bitcast %select_n3A_268 : vector<16xf32> -> vector<16xi32>
          %bitcast_convert_type3A_276 = tpu.bitcast %select_n3A_274 : vector<16xf32> -> vector<16xi32>
          %shift_right_logical3A_277 = arith.constant 16 : i32
          %shift_right_logical3A_278 = vector.broadcast %shift_right_logical3A_277 : i32 to vector<16xi32>
          %shift_right_logical3A_279 = arith.shrui %bitcast_convert_type3A_275, %shift_right_logical3A_278 : vector<16xi32>
          %and3A_280 = arith.andi %bitcast_convert_type3A_276, %broadcast_in_dim3A_11 : vector<16xi32>
          %or3A_281 = arith.ori %shift_right_logical3A_279, %and3A_280 : vector<16xi32>
          %mul3A_282 = arith.constant 128 : i32
          %mul3A_283 = arith.muli %add3A_117, %mul3A_282 : i32
          %add3A_284 = arith.addi %mul3A_283, %add3A_244 : i32
          %swap3A_285 = arith.index_cast %add3A_284 : i32 to index
          %swap3A_286 = arith.constant 0 : index
          %swap3A_287 = tpu.vector_load %arg7[%swap3A_285, %swap3A_286] {strides = array<i32>} : memref<4096x16xi32, #tpu.memory_space<vmem>>, vector<1x16xi32>,
          %swap3A_288 = vector.shape_cast %swap3A_287 : vector<1x16xi32> to vector<16xi32>
          %swap3A_289 = vector.shape_cast %or3A_281 : vector<16xi32> to vector<1x16xi32>
          tpu.vector_store %arg7[%swap3A_285, %swap3A_286], %swap3A_289 {strides = array<i32>} : memref<4096x16xi32, #tpu.memory_space<vmem>>, vector<1x16xi32>,
          %mul3A_290 = arith.constant 4 : i32
          %mul3A_291 = arith.muli %mul3A_290, %scan3A_147 : i32
          %add3A_292 = arith.constant 3 : i32
          %add3A_293 = arith.addi %mul3A_291, %add3A_292 : i32
          %get3A_294 = arith.constant 0 : i32
          %get3A_295 = arith.constant 0 : i32
          %get3A_296 = tpu.memref_slice %arg6[%scan3A_133, %get3A_294, %get3A_295] : memref<2x128x32xf32, #tpu.memory_space<vmem>> -> memref<1x128x32xf32, #tpu.memory_space<vmem>>
          %get3A_297 = tpu.memref_squeeze %get3A_296 : memref<1x128x32xf32, #tpu.memory_space<vmem>> -> memref<128x32xf32, #tpu.memory_space<vmem>>
          %get3A_298 = arith.index_cast %add3A_293 : i32 to index
          %get3A_299 = arith.constant 0 : index
          %get3A_300 = tpu.vector_load %get3A_297[%get3A_298, %get3A_299] {strides = array<i32>} : memref<128x32xf32, #tpu.memory_space<vmem>>, vector<1x16xf32>,
          %get3A_301 = vector.shape_cast %get3A_300 : vector<1x16xf32> to vector<16xf32>
          %get3A_302 = arith.constant 0 : i32
          %get3A_303 = arith.constant 0 : i32
          %get3A_304 = tpu.memref_slice %arg6[%scan3A_133, %get3A_302, %get3A_303] : memref<2x128x32xf32, #tpu.memory_space<vmem>> -> memref<1x128x32xf32, #tpu.memory_space<vmem>>
          %get3A_305 = tpu.memref_squeeze %get3A_304 : memref<1x128x32xf32, #tpu.memory_space<vmem>> -> memref<128x32xf32, #tpu.memory_space<vmem>>
          %get3A_306 = arith.index_cast %add3A_293 : i32 to index
          %get3A_307 = arith.constant 16 : index
          %get3A_308 = tpu.vector_load %get3A_305[%get3A_306, %get3A_307] {strides = array<i32>} : memref<128x32xf32, #tpu.memory_space<vmem>>, vector<1x16xf32>,
          %get3A_309 = vector.shape_cast %get3A_308 : vector<1x16xf32> to vector<16xf32>
          %max3A_310 = arith.maximumf %max3A_261, %get3A_301 : vector<16xf32>
          %max3A_311 = arith.maximumf %max3A_262, %get3A_309 : vector<16xf32>
          %eq3A_312 = arith.constant 0.000000e+00 : f32
          %eq3A_313 = vector.broadcast %eq3A_312 : f32 to vector<16xf32>
          %eq3A_314 = arith.cmpf oeq, %get3A_301, %eq3A_313 : vector<16xf32>
          %jit3A_315 = arith.constant -1.000000e+30 : f32
          %broadcast_in_dim3A_316 = vector.broadcast %jit3A_315 : f32 to vector<16xf32>
          %select_n3A_317 = arith.select %eq3A_314, %broadcast_in_dim3A_316, %get3A_301 : vector<16xi1>, vector<16xf32>
          %eq3A_318 = arith.constant 0.000000e+00 : f32
          %eq3A_319 = vector.broadcast %eq3A_318 : f32 to vector<16xf32>
          %eq3A_320 = arith.cmpf oeq, %get3A_309, %eq3A_319 : vector<16xf32>
          %jit3A_321 = arith.constant -1.000000e+30 : f32
          %broadcast_in_dim3A_322 = vector.broadcast %jit3A_321 : f32 to vector<16xf32>
          %select_n3A_323 = arith.select %eq3A_320, %broadcast_in_dim3A_322, %get3A_309 : vector<16xi1>, vector<16xf32>
          %bitcast_convert_type3A_324 = tpu.bitcast %select_n3A_317 : vector<16xf32> -> vector<16xi32>
          %bitcast_convert_type3A_325 = tpu.bitcast %select_n3A_323 : vector<16xf32> -> vector<16xi32>
          %shift_right_logical3A_326 = arith.constant 16 : i32
          %shift_right_logical3A_327 = vector.broadcast %shift_right_logical3A_326 : i32 to vector<16xi32>
          %shift_right_logical3A_328 = arith.shrui %bitcast_convert_type3A_324, %shift_right_logical3A_327 : vector<16xi32>
          %and3A_329 = arith.andi %bitcast_convert_type3A_325, %broadcast_in_dim3A_11 : vector<16xi32>
          %or3A_330 = arith.ori %shift_right_logical3A_328, %and3A_329 : vector<16xi32>
          %mul3A_331 = arith.constant 128 : i32
          %mul3A_332 = arith.muli %add3A_117, %mul3A_331 : i32
          %add3A_333 = arith.addi %mul3A_332, %add3A_293 : i32
          %swap3A_334 = arith.index_cast %add3A_333 : i32 to index
          %swap3A_335 = arith.constant 0 : index
          %swap3A_336 = tpu.vector_load %arg7[%swap3A_334, %swap3A_335] {strides = array<i32>} : memref<4096x16xi32, #tpu.memory_space<vmem>>, vector<1x16xi32>,
          %swap3A_337 = vector.shape_cast %swap3A_336 : vector<1x16xi32> to vector<16xi32>
          %swap3A_338 = vector.shape_cast %or3A_330 : vector<16xi32> to vector<1x16xi32>
          tpu.vector_store %arg7[%swap3A_334, %swap3A_335], %swap3A_338 {strides = array<i32>} : memref<4096x16xi32, #tpu.memory_space<vmem>>, vector<1x16xi32>,
          scf.yield %max3A_310, %max3A_311 : vector<16xf32>, vector<16xf32>
        }
        %scan3A_139 = arith.constant 32 : i32
        %add3A_140 = arith.constant 2 : i32
        %add3A_141 = arith.addi %add3A_117, %add3A_140 : i32
        %lt3A_142 = arith.constant 32 : i32
        %lt3A_143 = arith.cmpi slt, %add3A_141, %lt3A_142 : i32
        %convert_element_type3A_144 = arith.extui %lt3A_143 : i1 to i32
        %cond3A_145 = arith.constant 0 : i32
        %cond3A_146 = arith.cmpi ne, %convert_element_type3A_144, %cond3A_145 : i32
        scf.if %cond3A_146 {
          %add3A_147 = arith.constant 2 : i32
          %add3A_148 = arith.addi %add3A_117, %add3A_147 : i32
          %dma_start3A_149 = arith.constant 1 : i32
          %dma_start3A_150 = arith.constant 0 : i32
          %dma_start3A_151 = arith.constant 0 : i32
          %dma_start3A_152 = tpu.memref_slice %arg6[%dma_start3A_149, %dma_start3A_150, %dma_start3A_151] : memref<2x128x32xf32, #tpu.memory_space<vmem>> -> memref<1x128x32xf32, #tpu.memory_space<vmem>>
          %dma_start3A_153 = tpu.memref_squeeze %dma_start3A_152 : memref<1x128x32xf32, #tpu.memory_space<vmem>> -> memref<128x32xf32, #tpu.memory_space<vmem>>
          %dma_start3A_154 = arith.constant 0 : i32
          %dma_start3A_155 = tpu.memref_slice %arg5[%add3A_148, %dma_start3A_154] : memref<32x128xi32, #tpu.memory_space<vmem>> -> memref<1x128xi32, #tpu.memory_space<vmem>>
          %dma_start3A_156 = tpu.memref_squeeze %dma_start3A_155 : memref<1x128xi32, #tpu.memory_space<vmem>> -> memref<128xi32, #tpu.memory_space<vmem>>
          %dma_start3A_157 = arith.constant 0 : i32
          %dma_start3A_158 = arith.constant 0 : i32
          %dma_start3A_159 = tpu.memref_slice %arg2[%dma_start3A_157, %dma_start3A_158] : memref<1000000x32xf32, #tpu.memory_space<hbm>> -> memref<1000000x32xf32, #tpu.memory_space<hbm>>
          tpu.enqueue_indirect_dma source(%dma_start3A_159 : memref<1000000x32xf32, #tpu.memory_space<hbm>>) target(%dma_start3A_153 : memref<128x32xf32, #tpu.memory_space<vmem>>) offsets(%dma_start3A_156 : memref<128xi32, #tpu.memory_space<vmem>>) semaphore(%arg10 : memref<!tpu.dma_semaphore, #tpu.memory_space<semaphore_mem>>)
        } else {
        }
        scf.yield %scan3A_138#0, %scan3A_138#1 : vector<16xf32>, vector<16xf32>
      }
      %scan3A_50 = arith.constant 16 : i32
      %scan3A_51 = arith.constant 0 : i32
      %scan3A_52 = arith.constant 1024 : i32
      %scan3A_53 = arith.addi %scan3A_51, %scan3A_52 : i32
      %scan3A_54 = arith.constant 1 : i32
      %scan3A_55:2 = scf.for %scan3A_81 = %scan3A_51 to %scan3A_53 step %scan3A_54 iter_args(%scan3A_82 = %broadcast_in_dim3A_9, %scan3A_83 = %broadcast_in_dim3A_9) -> (vector<16xf32>, vector<16xf32>)  : i32 {
        %mul3A_84 = arith.constant 4 : i32
        %mul3A_85 = arith.muli %mul3A_84, %scan3A_81 : i32
        %add3A_86 = arith.constant 0 : i32
        %add3A_87 = arith.addi %mul3A_85, %add3A_86 : i32
        %get3A = arith.index_cast %add3A_87 : i32 to index
        %get3A_88 = arith.constant 0 : index
        %get3A_89 = tpu.vector_load %arg7[%get3A, %get3A_88] {strides = array<i32>} : memref<4096x16xi32, #tpu.memory_space<vmem>>, vector<1x16xi32>,
        %get3A_90 = vector.shape_cast %get3A_89 : vector<1x16xi32> to vector<16xi32>
        %shift_left3A = arith.constant 16 : i32
        %shift_left3A_91 = vector.broadcast %shift_left3A : i32 to vector<16xi32>
        %shift_left3A_92 = arith.shli %get3A_90, %shift_left3A_91 : vector<16xi32>
        %bitcast_convert_type3A = tpu.bitcast %shift_left3A_92 : vector<16xi32> -> vector<16xf32>
        %and3A = arith.andi %get3A_90, %broadcast_in_dim3A_11 : vector<16xi32>
        %bitcast_convert_type3A_93 = tpu.bitcast %and3A : vector<16xi32> -> vector<16xf32>
        %sub3A = arith.subf %bitcast_convert_type3A, %scan3A_49#0 : vector<16xf32>
        %exp3A = math.exp %sub3A : vector<16xf32>
        %add3A_94 = arith.addf %scan3A_82, %exp3A : vector<16xf32>
        %sub3A_95 = arith.subf %bitcast_convert_type3A_93, %scan3A_49#1 : vector<16xf32>
        %exp3A_96 = math.exp %sub3A_95 : vector<16xf32>
        %add3A_97 = arith.addf %scan3A_83, %exp3A_96 : vector<16xf32>
        %mul3A_98 = arith.constant 4 : i32
        %mul3A_99 = arith.muli %mul3A_98, %scan3A_81 : i32
        %add3A_100 = arith.constant 1 : i32
        %add3A_101 = arith.addi %mul3A_99, %add3A_100 : i32
        %get3A_102 = arith.index_cast %add3A_101 : i32 to index
        %get3A_103 = arith.constant 0 : index
        %get3A_104 = tpu.vector_load %arg7[%get3A_102, %get3A_103] {strides = array<i32>} : memref<4096x16xi32, #tpu.memory_space<vmem>>, vector<1x16xi32>,
        %get3A_105 = vector.shape_cast %get3A_104 : vector<1x16xi32> to vector<16xi32>
        %shift_left3A_106 = arith.constant 16 : i32
        %shift_left3A_107 = vector.broadcast %shift_left3A_106 : i32 to vector<16xi32>
        %shift_left3A_108 = arith.shli %get3A_105, %shift_left3A_107 : vector<16xi32>
        %bitcast_convert_type3A_109 = tpu.bitcast %shift_left3A_108 : vector<16xi32> -> vector<16xf32>
        %and3A_110 = arith.andi %get3A_105, %broadcast_in_dim3A_11 : vector<16xi32>
        %bitcast_convert_type3A_111 = tpu.bitcast %and3A_110 : vector<16xi32> -> vector<16xf32>
        %sub3A_112 = arith.subf %bitcast_convert_type3A_109, %scan3A_49#0 : vector<16xf32>
        %exp3A_113 = math.exp %sub3A_112 : vector<16xf32>
        %add3A_114 = arith.addf %add3A_94, %exp3A_113 : vector<16xf32>
        %sub3A_115 = arith.subf %bitcast_convert_type3A_111, %scan3A_49#1 : vector<16xf32>
        %exp3A_116 = math.exp %sub3A_115 : vector<16xf32>
        %add3A_117 = arith.addf %add3A_97, %exp3A_116 : vector<16xf32>
        %mul3A_118 = arith.constant 4 : i32
        %mul3A_119 = arith.muli %mul3A_118, %scan3A_81 : i32
        %add3A_120 = arith.constant 2 : i32
        %add3A_121 = arith.addi %mul3A_119, %add3A_120 : i32
        %get3A_122 = arith.index_cast %add3A_121 : i32 to index
        %get3A_123 = arith.constant 0 : index
        %get3A_124 = tpu.vector_load %arg7[%get3A_122, %get3A_123] {strides = array<i32>} : memref<4096x16xi32, #tpu.memory_space<vmem>>, vector<1x16xi32>,
        %get3A_125 = vector.shape_cast %get3A_124 : vector<1x16xi32> to vector<16xi32>
        %shift_left3A_126 = arith.constant 16 : i32
        %shift_left3A_127 = vector.broadcast %shift_left3A_126 : i32 to vector<16xi32>
        %shift_left3A_128 = arith.shli %get3A_125, %shift_left3A_127 : vector<16xi32>
        %bitcast_convert_type3A_129 = tpu.bitcast %shift_left3A_128 : vector<16xi32> -> vector<16xf32>
        %and3A_130 = arith.andi %get3A_125, %broadcast_in_dim3A_11 : vector<16xi32>
        %bitcast_convert_type3A_131 = tpu.bitcast %and3A_130 : vector<16xi32> -> vector<16xf32>
        %sub3A_132 = arith.subf %bitcast_convert_type3A_129, %scan3A_49#0 : vector<16xf32>
        %exp3A_133 = math.exp %sub3A_132 : vector<16xf32>
        %add3A_134 = arith.addf %add3A_114, %exp3A_133 : vector<16xf32>
        %sub3A_135 = arith.subf %bitcast_convert_type3A_131, %scan3A_49#1 : vector<16xf32>
        %exp3A_136 = math.exp %sub3A_135 : vector<16xf32>
        %add3A_137 = arith.addf %add3A_117, %exp3A_136 : vector<16xf32>
        %mul3A_138 = arith.constant 4 : i32
        %mul3A_139 = arith.muli %mul3A_138, %scan3A_81 : i32
        %add3A_140 = arith.constant 3 : i32
        %add3A_141 = arith.addi %mul3A_139, %add3A_140 : i32
        %get3A_142 = arith.index_cast %add3A_141 : i32 to index
        %get3A_143 = arith.constant 0 : index
        %get3A_144 = tpu.vector_load %arg7[%get3A_142, %get3A_143] {strides = array<i32>} : memref<4096x16xi32, #tpu.memory_space<vmem>>, vector<1x16xi32>,
        %get3A_145 = vector.shape_cast %get3A_144 : vector<1x16xi32> to vector<16xi32>
        %shift_left3A_146 = arith.constant 16 : i32
        %shift_left3A_147 = vector.broadcast %shift_left3A_146 : i32 to vector<16xi32>
        %shift_left3A_148 = arith.shli %get3A_145, %shift_left3A_147 : vector<16xi32>
        %bitcast_convert_type3A_149 = tpu.bitcast %shift_left3A_148 : vector<16xi32> -> vector<16xf32>
        %and3A_150 = arith.andi %get3A_145, %broadcast_in_dim3A_11 : vector<16xi32>
        %bitcast_convert_type3A_151 = tpu.bitcast %and3A_150 : vector<16xi32> -> vector<16xf32>
        %sub3A_152 = arith.subf %bitcast_convert_type3A_149, %scan3A_49#0 : vector<16xf32>
        %exp3A_153 = math.exp %sub3A_152 : vector<16xf32>
        %add3A_154 = arith.addf %add3A_134, %exp3A_153 : vector<16xf32>
        %sub3A_155 = arith.subf %bitcast_convert_type3A_151, %scan3A_49#1 : vector<16xf32>
        %exp3A_156 = math.exp %sub3A_155 : vector<16xf32>
        %add3A_157 = arith.addf %add3A_137, %exp3A_156 : vector<16xf32>
        scf.yield %add3A_154, %add3A_157 : vector<16xf32>, vector<16xf32>
      }
      %scan3A_56 = arith.constant 1024 : i32
      %div3A = arith.constant 1.000000e+00 : f32
      %div3A_57 = vector.broadcast %div3A : f32 to vector<16xf32>
      %div3A_58 = arith.divf %div3A_57, %scan3A_55#0 : vector<16xf32>
      %div3A_59 = arith.constant 1.000000e+00 : f32
      %div3A_60 = vector.broadcast %div3A_59 : f32 to vector<16xf32>
      %div3A_61 = arith.divf %div3A_60, %scan3A_55#1 : vector<16xf32>
      %scan3A_62 = arith.constant 0 : i32
      %scan3A_63 = arith.constant 1024 : i32
      %scan3A_64 = arith.addi %scan3A_62, %scan3A_63 : i32
      %scan3A_65 = arith.constant 1 : i32
      %scan3A_66:2 = scf.for %scan3A_81 = %scan3A_62 to %scan3A_64 step %scan3A_65 iter_args(%scan3A_82 = %broadcast_in_dim3A_9, %scan3A_83 = %broadcast_in_dim3A_9) -> (vector<16xf32>, vector<16xf32>)  : i32 {
        %mul3A_84 = arith.constant 4 : i32
        %mul3A_85 = arith.muli %mul3A_84, %scan3A_81 : i32
        %add3A_86 = arith.constant 0 : i32
        %add3A_87 = arith.addi %mul3A_85, %add3A_86 : i32
        %get3A = arith.index_cast %add3A_87 : i32 to index
        %get3A_88 = arith.constant 0 : index
        %get3A_89 = tpu.vector_load %arg7[%get3A, %get3A_88] {strides = array<i32>} : memref<4096x16xi32, #tpu.memory_space<vmem>>, vector<1x16xi32>,
        %get3A_90 = vector.shape_cast %get3A_89 : vector<1x16xi32> to vector<16xi32>
        %shift_left3A = arith.constant 16 : i32
        %shift_left3A_91 = vector.broadcast %shift_left3A : i32 to vector<16xi32>
        %shift_left3A_92 = arith.shli %get3A_90, %shift_left3A_91 : vector<16xi32>
        %bitcast_convert_type3A = tpu.bitcast %shift_left3A_92 : vector<16xi32> -> vector<16xf32>
        %and3A = arith.andi %get3A_90, %broadcast_in_dim3A_11 : vector<16xi32>
        %bitcast_convert_type3A_93 = tpu.bitcast %and3A : vector<16xi32> -> vector<16xf32>
        %sub3A = arith.subf %bitcast_convert_type3A, %scan3A_49#0 : vector<16xf32>
        %exp3A = math.exp %sub3A : vector<16xf32>
        %mul3A_94 = arith.mulf %exp3A, %div3A_58 : vector<16xf32>
        %add3A_95 = arith.addf %scan3A_82, %mul3A_94 : vector<16xf32>
        %sub3A_96 = arith.subf %bitcast_convert_type3A_93, %scan3A_49#1 : vector<16xf32>
        %exp3A_97 = math.exp %sub3A_96 : vector<16xf32>
        %mul3A_98 = arith.mulf %exp3A_97, %div3A_61 : vector<16xf32>
        %add3A_99 = arith.addf %scan3A_83, %mul3A_98 : vector<16xf32>
        %mul3A_100 = arith.constant 4 : i32
        %mul3A_101 = arith.muli %mul3A_100, %scan3A_81 : i32
        %add3A_102 = arith.constant 1 : i32
        %add3A_103 = arith.addi %mul3A_101, %add3A_102 : i32
        %get3A_104 = arith.index_cast %add3A_103 : i32 to index
        %get3A_105 = arith.constant 0 : index
        %get3A_106 = tpu.vector_load %arg7[%get3A_104, %get3A_105] {strides = array<i32>} : memref<4096x16xi32, #tpu.memory_space<vmem>>, vector<1x16xi32>,
        %get3A_107 = vector.shape_cast %get3A_106 : vector<1x16xi32> to vector<16xi32>
        %shift_left3A_108 = arith.constant 16 : i32
        %shift_left3A_109 = vector.broadcast %shift_left3A_108 : i32 to vector<16xi32>
        %shift_left3A_110 = arith.shli %get3A_107, %shift_left3A_109 : vector<16xi32>
        %bitcast_convert_type3A_111 = tpu.bitcast %shift_left3A_110 : vector<16xi32> -> vector<16xf32>
        %and3A_112 = arith.andi %get3A_107, %broadcast_in_dim3A_11 : vector<16xi32>
        %bitcast_convert_type3A_113 = tpu.bitcast %and3A_112 : vector<16xi32> -> vector<16xf32>
        %sub3A_114 = arith.subf %bitcast_convert_type3A_111, %scan3A_49#0 : vector<16xf32>
        %exp3A_115 = math.exp %sub3A_114 : vector<16xf32>
        %mul3A_116 = arith.mulf %exp3A_115, %div3A_58 : vector<16xf32>
        %add3A_117 = arith.addf %add3A_95, %mul3A_116 : vector<16xf32>
        %sub3A_118 = arith.subf %bitcast_convert_type3A_113, %scan3A_49#1 : vector<16xf32>
        %exp3A_119 = math.exp %sub3A_118 : vector<16xf32>
        %mul3A_120 = arith.mulf %exp3A_119, %div3A_61 : vector<16xf32>
        %add3A_121 = arith.addf %add3A_99, %mul3A_120 : vector<16xf32>
        %mul3A_122 = arith.constant 4 : i32
        %mul3A_123 = arith.muli %mul3A_122, %scan3A_81 : i32
        %add3A_124 = arith.constant 2 : i32
        %add3A_125 = arith.addi %mul3A_123, %add3A_124 : i32
        %get3A_126 = arith.index_cast %add3A_125 : i32 to index
        %get3A_127 = arith.constant 0 : index
        %get3A_128 = tpu.vector_load %arg7[%get3A_126, %get3A_127] {strides = array<i32>} : memref<4096x16xi32, #tpu.memory_space<vmem>>, vector<1x16xi32>,
        %get3A_129 = vector.shape_cast %get3A_128 : vector<1x16xi32> to vector<16xi32>
        %shift_left3A_130 = arith.constant 16 : i32
        %shift_left3A_131 = vector.broadcast %shift_left3A_130 : i32 to vector<16xi32>
        %shift_left3A_132 = arith.shli %get3A_129, %shift_left3A_131 : vector<16xi32>
        %bitcast_convert_type3A_133 = tpu.bitcast %shift_left3A_132 : vector<16xi32> -> vector<16xf32>
        %and3A_134 = arith.andi %get3A_129, %broadcast_in_dim3A_11 : vector<16xi32>
        %bitcast_convert_type3A_135 = tpu.bitcast %and3A_134 : vector<16xi32> -> vector<16xf32>
        %sub3A_136 = arith.subf %bitcast_convert_type3A_133, %scan3A_49#0 : vector<16xf32>
        %exp3A_137 = math.exp %sub3A_136 : vector<16xf32>
        %mul3A_138 = arith.mulf %exp3A_137, %div3A_58 : vector<16xf32>
        %add3A_139 = arith.addf %add3A_117, %mul3A_138 : vector<16xf32>
        %sub3A_140 = arith.subf %bitcast_convert_type3A_135, %scan3A_49#1 : vector<16xf32>
        %exp3A_141 = math.exp %sub3A_140 : vector<16xf32>
        %mul3A_142 = arith.mulf %exp3A_141, %div3A_61 : vector<16xf32>
        %add3A_143 = arith.addf %add3A_121, %mul3A_142 : vector<16xf32>
        %mul3A_144 = arith.constant 4 : i32
        %mul3A_145 = arith.muli %mul3A_144, %scan3A_81 : i32
        %add3A_146 = arith.constant 3 : i32
        %add3A_147 = arith.addi %mul3A_145, %add3A_146 : i32
        %get3A_148 = arith.index_cast %add3A_147 : i32 to index
        %get3A_149 = arith.constant 0 : index
        %get3A_150 = tpu.vector_load %arg7[%get3A_148, %get3A_149] {strides = array<i32>} : memref<4096x16xi32, #tpu.memory_space<vmem>>, vector<1x16xi32>,
        %get3A_151 = vector.shape_cast %get3A_150 : vector<1x16xi32> to vector<16xi32>
        %shift_left3A_152 = arith.constant 16 : i32
        %shift_left3A_153 = vector.broadcast %shift_left3A_152 : i32 to vector<16xi32>
        %shift_left3A_154 = arith.shli %get3A_151, %shift_left3A_153 : vector<16xi32>
        %bitcast_convert_type3A_155 = tpu.bitcast %shift_left3A_154 : vector<16xi32> -> vector<16xf32>
        %and3A_156 = arith.andi %get3A_151, %broadcast_in_dim3A_11 : vector<16xi32>
        %bitcast_convert_type3A_157 = tpu.bitcast %and3A_156 : vector<16xi32> -> vector<16xf32>
        %sub3A_158 = arith.subf %bitcast_convert_type3A_155, %scan3A_49#0 : vector<16xf32>
        %exp3A_159 = math.exp %sub3A_158 : vector<16xf32>
        %mul3A_160 = arith.mulf %exp3A_159, %div3A_58 : vector<16xf32>
        %add3A_161 = arith.addf %add3A_139, %mul3A_160 : vector<16xf32>
        %sub3A_162 = arith.subf %bitcast_convert_type3A_157, %scan3A_49#1 : vector<16xf32>
        %exp3A_163 = math.exp %sub3A_162 : vector<16xf32>
        %mul3A_164 = arith.mulf %exp3A_163, %div3A_61 : vector<16xf32>
        %add3A_165 = arith.addf %add3A_143, %mul3A_164 : vector<16xf32>
        scf.yield %add3A_161, %add3A_165 : vector<16xf32>, vector<16xf32>
      }
      %scan3A_67 = arith.constant 1024 : i32
      %mul3A_68 = arith.constant 2.44140625E-4 : f32
      %mul3A_69 = vector.broadcast %mul3A_68 : f32 to vector<16xf32>
      %mul3A_70 = arith.mulf %scan3A_66#0, %mul3A_69 : vector<16xf32>
      %swap3A = arith.constant 0 : index
      %swap3A_71 = tpu.vector_load %arg8[%swap3A] {strides = array<i32>} : memref<32xf32, #tpu.memory_space<vmem>>, vector<16xf32>,
      %swap3A_72 = vector.shape_cast %swap3A_71 : vector<16xf32> to vector<16xf32>
      %swap3A_73 = vector.shape_cast %mul3A_70 : vector<16xf32> to vector<16xf32>
      tpu.vector_store %arg8[%swap3A], %swap3A_73 {strides = array<i32>} : memref<32xf32, #tpu.memory_space<vmem>>, vector<16xf32>,
      %mul3A_74 = arith.constant 2.44140625E-4 : f32
      %mul3A_75 = vector.broadcast %mul3A_74 : f32 to vector<16xf32>
      %mul3A_76 = arith.mulf %scan3A_66#1, %mul3A_75 : vector<16xf32>
      %swap3A_77 = arith.constant 16 : index
      %swap3A_78 = tpu.vector_load %arg8[%swap3A_77] {strides = array<i32>} : memref<32xf32, #tpu.memory_space<vmem>>, vector<16xf32>,
      %swap3A_79 = vector.shape_cast %swap3A_78 : vector<16xf32> to vector<16xf32>
      %swap3A_80 = vector.shape_cast %mul3A_76 : vector<16xf32> to vector<16xf32>
      tpu.vector_store %arg8[%swap3A_77], %swap3A_80 {strides = array<i32>} : memref<32xf32, #tpu.memory_space<vmem>>, vector<16xf32>,
      "tpu.region"() ({
        %run_scoped3A = tpu.sem_alloc : memref<!tpu.dma_semaphore, #tpu.memory_space<semaphore_mem>>
        %dma_start3A_81 = arith.constant 0 : i32
        %dma_start3A_82 = tpu.memref_slice %arg4[%add3A_22, %dma_start3A_81] : memref<200x32xf32, #tpu.memory_space<hbm>> -> memref<1x32xf32, #tpu.memory_space<hbm>>
        %dma_start3A_83 = tpu.memref_squeeze %dma_start3A_82 : memref<1x32xf32, #tpu.memory_space<hbm>> -> memref<32xf32, #tpu.memory_space<hbm>>
        %dma_start3A_84 = arith.constant 0 : i32
        %dma_start3A_85 = tpu.memref_slice %arg4[%add3A_22, %dma_start3A_84] : memref<200x32xf32, #tpu.memory_space<hbm>> -> memref<1x32xf32, #tpu.memory_space<hbm>>
        %dma_start3A_86 = tpu.memref_squeeze %dma_start3A_85 : memref<1x32xf32, #tpu.memory_space<hbm>> -> memref<32xf32, #tpu.memory_space<hbm>>
        tpu.enqueue_dma source(%arg8 : memref<32xf32, #tpu.memory_space<vmem>>) target(%dma_start3A_86 : memref<32xf32, #tpu.memory_space<hbm>>) target_semaphore(%run_scoped3A : memref<!tpu.dma_semaphore, #tpu.memory_space<semaphore_mem>>)
        %dma_wait3A = arith.constant 0 : i32
        %dma_wait3A_87 = tpu.memref_slice %arg4[%add3A_22, %dma_wait3A] : memref<200x32xf32, #tpu.memory_space<hbm>> -> memref<1x32xf32, #tpu.memory_space<hbm>>
        %dma_wait3A_88 = tpu.memref_squeeze %dma_wait3A_87 : memref<1x32xf32, #tpu.memory_space<hbm>> -> memref<32xf32, #tpu.memory_space<hbm>>
        %dma_wait3A_89 = arith.constant 0 : i32
        %dma_wait3A_90 = tpu.memref_slice %arg4[%add3A_22, %dma_wait3A_89] : memref<200x32xf32, #tpu.memory_space<hbm>> -> memref<1x32xf32, #tpu.memory_space<hbm>>
        %dma_wait3A_91 = tpu.memref_squeeze %dma_wait3A_90 : memref<1x32xf32, #tpu.memory_space<hbm>> -> memref<32xf32, #tpu.memory_space<hbm>>
        tpu.wait_dma2 semaphore(%run_scoped3A : memref<!tpu.dma_semaphore, #tpu.memory_space<semaphore_mem>>) src(%arg8 : memref<32xf32, #tpu.memory_space<vmem>>) dst(%dma_wait3A_91 : memref<32xf32, #tpu.memory_space<hbm>>)
        tpu.yield
      }) : () -> ()
    }
    %while3A_20 = arith.constant 1 : i32
    scf.for %while3A_21 = %while3A_18 to %while3A_14 step %while3A_20  : i32 {
      %add3A_22 = arith.addi %add3A_6, %while3A_21 : i32
      "tpu.region"() ({
        %run_scoped3A = tpu.sem_alloc : memref<!tpu.dma_semaphore, #tpu.memory_space<semaphore_mem>>
        %dma_start3A_81 = arith.constant 0 : i32
        %dma_start3A_82 = arith.constant 0 : i32
        %dma_start3A_83 = tpu.memref_slice %arg3[%add3A_22, %dma_start3A_81, %dma_start3A_82] : memref<200x32x128xi32, #tpu.memory_space<hbm>> -> memref<1x32x128xi32, #tpu.memory_space<hbm>>
        %dma_start3A_84 = tpu.memref_squeeze %dma_start3A_83 : memref<1x32x128xi32, #tpu.memory_space<hbm>> -> memref<32x128xi32, #tpu.memory_space<hbm>>
        %dma_start3A_85 = arith.constant 0 : i32
        %dma_start3A_86 = arith.constant 0 : i32
        %dma_start3A_87 = tpu.memref_slice %arg3[%add3A_22, %dma_start3A_85, %dma_start3A_86] : memref<200x32x128xi32, #tpu.memory_space<hbm>> -> memref<1x32x128xi32, #tpu.memory_space<hbm>>
        %dma_start3A_88 = tpu.memref_squeeze %dma_start3A_87 : memref<1x32x128xi32, #tpu.memory_space<hbm>> -> memref<32x128xi32, #tpu.memory_space<hbm>>
        tpu.enqueue_dma source(%dma_start3A_88 : memref<32x128xi32, #tpu.memory_space<hbm>>) target(%arg5 : memref<32x128xi32, #tpu.memory_space<vmem>>) target_semaphore(%run_scoped3A : memref<!tpu.dma_semaphore, #tpu.memory_space<semaphore_mem>>)
        %dma_wait3A = arith.constant 0 : i32
        %dma_wait3A_89 = arith.constant 0 : i32
        %dma_wait3A_90 = tpu.memref_slice %arg3[%add3A_22, %dma_wait3A, %dma_wait3A_89] : memref<200x32x128xi32, #tpu.memory_space<hbm>> -> memref<1x32x128xi32, #tpu.memory_space<hbm>>
        %dma_wait3A_91 = tpu.memref_squeeze %dma_wait3A_90 : memref<1x32x128xi32, #tpu.memory_space<hbm>> -> memref<32x128xi32, #tpu.memory_space<hbm>>
        %dma_wait3A_92 = arith.constant 0 : i32
        %dma_wait3A_93 = arith.constant 0 : i32
        %dma_wait3A_94 = tpu.memref_slice %arg3[%add3A_22, %dma_wait3A_92, %dma_wait3A_93] : memref<200x32x128xi32, #tpu.memory_space<hbm>> -> memref<1x32x128xi32, #tpu.memory_space<hbm>>
        %dma_wait3A_95 = tpu.memref_squeeze %dma_wait3A_94 : memref<1x32x128xi32, #tpu.memory_space<hbm>> -> memref<32x128xi32, #tpu.memory_space<hbm>>
        tpu.wait_dma2 semaphore(%run_scoped3A : memref<!tpu.dma_semaphore, #tpu.memory_space<semaphore_mem>>) src(%dma_wait3A_95 : memref<32x128xi32, #tpu.memory_space<hbm>>) dst(%arg5 : memref<32x128xi32, #tpu.memory_space<vmem>>)
        tpu.yield
      }) : () -> ()
      %dma_start3A = arith.constant 0 : i32
      %dma_start3A_23 = arith.constant 0 : i32
      %dma_start3A_24 = arith.constant 0 : i32
      %dma_start3A_25 = arith.constant 0 : i32
      %dma_start3A_26 = tpu.memref_slice %arg6[%dma_start3A_23, %dma_start3A_24, %dma_start3A_25] : memref<2x128x32xf32, #tpu.memory_space<vmem>> -> memref<1x128x32xf32, #tpu.memory_space<vmem>>
      %dma_start3A_27 = tpu.memref_squeeze %dma_start3A_26 : memref<1x128x32xf32, #tpu.memory_space<vmem>> -> memref<128x32xf32, #tpu.memory_space<vmem>>
      %dma_start3A_28 = arith.constant 0 : i32
      %dma_start3A_29 = tpu.memref_slice %arg5[%dma_start3A, %dma_start3A_28] : memref<32x128xi32, #tpu.memory_space<vmem>> -> memref<1x128xi32, #tpu.memory_space<vmem>>
      %dma_start3A_30 = tpu.memref_squeeze %dma_start3A_29 : memref<1x128xi32, #tpu.memory_space<vmem>> -> memref<128xi32, #tpu.memory_space<vmem>>
      %dma_start3A_31 = arith.constant 0 : i32
      %dma_start3A_32 = arith.constant 0 : i32
      %dma_start3A_33 = tpu.memref_slice %arg2[%dma_start3A_31, %dma_start3A_32] : memref<1000000x32xf32, #tpu.memory_space<hbm>> -> memref<1000000x32xf32, #tpu.memory_space<hbm>>
      tpu.enqueue_indirect_dma source(%dma_start3A_33 : memref<1000000x32xf32, #tpu.memory_space<hbm>>) target(%dma_start3A_27 : memref<128x32xf32, #tpu.memory_space<vmem>>) offsets(%dma_start3A_30 : memref<128xi32, #tpu.memory_space<vmem>>) semaphore(%arg9 : memref<!tpu.dma_semaphore, #tpu.memory_space<semaphore_mem>>)
      %dma_start3A_34 = arith.constant 1 : i32
      %dma_start3A_35 = arith.constant 1 : i32
      %dma_start3A_36 = arith.constant 0 : i32
      %dma_start3A_37 = arith.constant 0 : i32
      %dma_start3A_38 = tpu.memref_slice %arg6[%dma_start3A_35, %dma_start3A_36, %dma_start3A_37] : memref<2x128x32xf32, #tpu.memory_space<vmem>> -> memref<1x128x32xf32, #tpu.memory_space<vmem>>
      %dma_start3A_39 = tpu.memref_squeeze %dma_start3A_38 : memref<1x128x32xf32, #tpu.memory_space<vmem>> -> memref<128x32xf32, #tpu.memory_space<vmem>>
      %dma_start3A_40 = arith.constant 0 : i32
      %dma_start3A_41 = tpu.memref_slice %arg5[%dma_start3A_34, %dma_start3A_40] : memref<32x128xi32, #tpu.memory_space<vmem>> -> memref<1x128xi32, #tpu.memory_space<vmem>>
      %dma_start3A_42 = tpu.memref_squeeze %dma_start3A_41 : memref<1x128xi32, #tpu.memory_space<vmem>> -> memref<128xi32, #tpu.memory_space<vmem>>
      %dma_start3A_43 = arith.constant 0 : i32
      %dma_start3A_44 = arith.constant 0 : i32
      %dma_start3A_45 = tpu.memref_slice %arg2[%dma_start3A_43, %dma_start3A_44] : memref<1000000x32xf32, #tpu.memory_space<hbm>> -> memref<1000000x32xf32, #tpu.memory_space<hbm>>
      tpu.enqueue_indirect_dma source(%dma_start3A_45 : memref<1000000x32xf32, #tpu.memory_space<hbm>>) target(%dma_start3A_39 : memref<128x32xf32, #tpu.memory_space<vmem>>) offsets(%dma_start3A_42 : memref<128xi32, #tpu.memory_space<vmem>>) semaphore(%arg10 : memref<!tpu.dma_semaphore, #tpu.memory_space<semaphore_mem>>)
      %scan3A = arith.constant 0 : i32
      %scan3A_46 = arith.constant 16 : i32
      %scan3A_47 = arith.addi %scan3A, %scan3A_46 : i32
      %scan3A_48 = arith.constant 1 : i32
      %scan3A_49:2 = scf.for %scan3A_81 = %scan3A to %scan3A_47 step %scan3A_48 iter_args(%scan3A_82 = %broadcast_in_dim3A_7, %scan3A_83 = %broadcast_in_dim3A_7) -> (vector<16xf32>, vector<16xf32>)  : i32 {
        %mul3A_84 = arith.constant 2 : i32
        %mul3A_85 = arith.muli %mul3A_84, %scan3A_81 : i32
        %add3A_86 = arith.constant 0 : i32
        %add3A_87 = arith.addi %mul3A_85, %add3A_86 : i32
        %dma_wait3A = arith.constant 0 : i32
        %dma_wait3A_88 = arith.constant 0 : i32
        %dma_wait3A_89 = arith.constant 0 : i32
        %dma_wait3A_90 = tpu.memref_slice %arg6[%dma_wait3A, %dma_wait3A_88, %dma_wait3A_89] : memref<2x128x32xf32, #tpu.memory_space<vmem>> -> memref<1x128x32xf32, #tpu.memory_space<vmem>>
        %dma_wait3A_91 = tpu.memref_squeeze %dma_wait3A_90 : memref<1x128x32xf32, #tpu.memory_space<vmem>> -> memref<128x32xf32, #tpu.memory_space<vmem>>
        %dma_wait3A_92 = arith.constant 0 : i32
        %dma_wait3A_93 = arith.constant 0 : i32
        %dma_wait3A_94 = tpu.memref_slice %arg2[%dma_wait3A_92, %dma_wait3A_93] : memref<1000000x32xf32, #tpu.memory_space<hbm>> -> memref<128x32xf32, #tpu.memory_space<hbm>>
        %dma_wait3A_95 = arith.constant 0 : i32
        %dma_wait3A_96 = arith.constant 0 : i32
        %dma_wait3A_97 = tpu.memref_slice %arg6[%dma_wait3A, %dma_wait3A_95, %dma_wait3A_96] : memref<2x128x32xf32, #tpu.memory_space<vmem>> -> memref<1x128x32xf32, #tpu.memory_space<vmem>>
        %dma_wait3A_98 = tpu.memref_squeeze %dma_wait3A_97 : memref<1x128x32xf32, #tpu.memory_space<vmem>> -> memref<128x32xf32, #tpu.memory_space<vmem>>
        %dma_wait3A_99 = arith.constant 0 : i32
        %dma_wait3A_100 = arith.constant 0 : i32
        %dma_wait3A_101 = tpu.memref_slice %arg2[%dma_wait3A_99, %dma_wait3A_100] : memref<1000000x32xf32, #tpu.memory_space<hbm>> -> memref<128x32xf32, #tpu.memory_space<hbm>>
        tpu.wait_dma2 semaphore(%arg9 : memref<!tpu.dma_semaphore, #tpu.memory_space<semaphore_mem>>) src(%dma_wait3A_101 : memref<128x32xf32, #tpu.memory_space<hbm>>) dst(%dma_wait3A_98 : memref<128x32xf32, #tpu.memory_space<vmem>>)
        %scan3A_102 = arith.constant 0 : i32
        %scan3A_103 = arith.constant 0 : i32
        %scan3A_104 = arith.constant 32 : i32
        %scan3A_105 = arith.addi %scan3A_103, %scan3A_104 : i32
        %scan3A_106 = arith.constant 1 : i32
        %scan3A_107:2 = scf.for %scan3A_147 = %scan3A_103 to %scan3A_105 step %scan3A_106 iter_args(%scan3A_148 = %scan3A_82, %scan3A_149 = %scan3A_83) -> (vector<16xf32>, vector<16xf32>)  : i32 {
          %mul3A_150 = arith.constant 4 : i32
          %mul3A_151 = arith.muli %mul3A_150, %scan3A_147 : i32
          %add3A_152 = arith.constant 0 : i32
          %add3A_153 = arith.addi %mul3A_151, %add3A_152 : i32
          %get3A = arith.constant 0 : i32
          %get3A_154 = arith.constant 0 : i32
          %get3A_155 = tpu.memref_slice %arg6[%scan3A_102, %get3A, %get3A_154] : memref<2x128x32xf32, #tpu.memory_space<vmem>> -> memref<1x128x32xf32, #tpu.memory_space<vmem>>
          %get3A_156 = tpu.memref_squeeze %get3A_155 : memref<1x128x32xf32, #tpu.memory_space<vmem>> -> memref<128x32xf32, #tpu.memory_space<vmem>>
          %get3A_157 = arith.index_cast %add3A_153 : i32 to index
          %get3A_158 = arith.constant 0 : index
          %get3A_159 = tpu.vector_load %get3A_156[%get3A_157, %get3A_158] {strides = array<i32>} : memref<128x32xf32, #tpu.memory_space<vmem>>, vector<1x16xf32>,
          %get3A_160 = vector.shape_cast %get3A_159 : vector<1x16xf32> to vector<16xf32>
          %get3A_161 = arith.constant 0 : i32
          %get3A_162 = arith.constant 0 : i32
          %get3A_163 = tpu.memref_slice %arg6[%scan3A_102, %get3A_161, %get3A_162] : memref<2x128x32xf32, #tpu.memory_space<vmem>> -> memref<1x128x32xf32, #tpu.memory_space<vmem>>
          %get3A_164 = tpu.memref_squeeze %get3A_163 : memref<1x128x32xf32, #tpu.memory_space<vmem>> -> memref<128x32xf32, #tpu.memory_space<vmem>>
          %get3A_165 = arith.index_cast %add3A_153 : i32 to index
          %get3A_166 = arith.constant 16 : index
          %get3A_167 = tpu.vector_load %get3A_164[%get3A_165, %get3A_166] {strides = array<i32>} : memref<128x32xf32, #tpu.memory_space<vmem>>, vector<1x16xf32>,
          %get3A_168 = vector.shape_cast %get3A_167 : vector<1x16xf32> to vector<16xf32>
          %max3A = arith.maximumf %scan3A_148, %get3A_160 : vector<16xf32>
          %max3A_169 = arith.maximumf %scan3A_149, %get3A_168 : vector<16xf32>
          %eq3A = arith.constant 0.000000e+00 : f32
          %eq3A_170 = vector.broadcast %eq3A : f32 to vector<16xf32>
          %eq3A_171 = arith.cmpf oeq, %get3A_160, %eq3A_170 : vector<16xf32>
          %jit3A_172 = arith.constant -1.000000e+30 : f32
          %broadcast_in_dim3A_173 = vector.broadcast %jit3A_172 : f32 to vector<16xf32>
          %select_n3A_174 = arith.select %eq3A_171, %broadcast_in_dim3A_173, %get3A_160 : vector<16xi1>, vector<16xf32>
          %eq3A_175 = arith.constant 0.000000e+00 : f32
          %eq3A_176 = vector.broadcast %eq3A_175 : f32 to vector<16xf32>
          %eq3A_177 = arith.cmpf oeq, %get3A_168, %eq3A_176 : vector<16xf32>
          %jit3A_178 = arith.constant -1.000000e+30 : f32
          %broadcast_in_dim3A_179 = vector.broadcast %jit3A_178 : f32 to vector<16xf32>
          %select_n3A_180 = arith.select %eq3A_177, %broadcast_in_dim3A_179, %get3A_168 : vector<16xi1>, vector<16xf32>
          %bitcast_convert_type3A = tpu.bitcast %select_n3A_174 : vector<16xf32> -> vector<16xi32>
          %bitcast_convert_type3A_181 = tpu.bitcast %select_n3A_180 : vector<16xf32> -> vector<16xi32>
          %shift_right_logical3A = arith.constant 16 : i32
          %shift_right_logical3A_182 = vector.broadcast %shift_right_logical3A : i32 to vector<16xi32>
          %shift_right_logical3A_183 = arith.shrui %bitcast_convert_type3A, %shift_right_logical3A_182 : vector<16xi32>
          %and3A = arith.andi %bitcast_convert_type3A_181, %broadcast_in_dim3A_11 : vector<16xi32>
          %or3A = arith.ori %shift_right_logical3A_183, %and3A : vector<16xi32>
          %mul3A_184 = arith.constant 128 : i32
          %mul3A_185 = arith.muli %add3A_87, %mul3A_184 : i32
          %add3A_186 = arith.addi %mul3A_185, %add3A_153 : i32
          %swap3A_187 = arith.index_cast %add3A_186 : i32 to index
          %swap3A_188 = arith.constant 0 : index
          %swap3A_189 = tpu.vector_load %arg7[%swap3A_187, %swap3A_188] {strides = array<i32>} : memref<4096x16xi32, #tpu.memory_space<vmem>>, vector<1x16xi32>,
          %swap3A_190 = vector.shape_cast %swap3A_189 : vector<1x16xi32> to vector<16xi32>
          %swap3A_191 = vector.shape_cast %or3A : vector<16xi32> to vector<1x16xi32>
          tpu.vector_store %arg7[%swap3A_187, %swap3A_188], %swap3A_191 {strides = array<i32>} : memref<4096x16xi32, #tpu.memory_space<vmem>>, vector<1x16xi32>,
          %mul3A_192 = arith.constant 4 : i32
          %mul3A_193 = arith.muli %mul3A_192, %scan3A_147 : i32
          %add3A_194 = arith.constant 1 : i32
          %add3A_195 = arith.addi %mul3A_193, %add3A_194 : i32
          %get3A_196 = arith.constant 0 : i32
          %get3A_197 = arith.constant 0 : i32
          %get3A_198 = tpu.memref_slice %arg6[%scan3A_102, %get3A_196, %get3A_197] : memref<2x128x32xf32, #tpu.memory_space<vmem>> -> memref<1x128x32xf32, #tpu.memory_space<vmem>>
          %get3A_199 = tpu.memref_squeeze %get3A_198 : memref<1x128x32xf32, #tpu.memory_space<vmem>> -> memref<128x32xf32, #tpu.memory_space<vmem>>
          %get3A_200 = arith.index_cast %add3A_195 : i32 to index
          %get3A_201 = arith.constant 0 : index
          %get3A_202 = tpu.vector_load %get3A_199[%get3A_200, %get3A_201] {strides = array<i32>} : memref<128x32xf32, #tpu.memory_space<vmem>>, vector<1x16xf32>,
          %get3A_203 = vector.shape_cast %get3A_202 : vector<1x16xf32> to vector<16xf32>
          %get3A_204 = arith.constant 0 : i32
          %get3A_205 = arith.constant 0 : i32
          %get3A_206 = tpu.memref_slice %arg6[%scan3A_102, %get3A_204, %get3A_205] : memref<2x128x32xf32, #tpu.memory_space<vmem>> -> memref<1x128x32xf32, #tpu.memory_space<vmem>>
          %get3A_207 = tpu.memref_squeeze %get3A_206 : memref<1x128x32xf32, #tpu.memory_space<vmem>> -> memref<128x32xf32, #tpu.memory_space<vmem>>
          %get3A_208 = arith.index_cast %add3A_195 : i32 to index
          %get3A_209 = arith.constant 16 : index
          %get3A_210 = tpu.vector_load %get3A_207[%get3A_208, %get3A_209] {strides = array<i32>} : memref<128x32xf32, #tpu.memory_space<vmem>>, vector<1x16xf32>,
          %get3A_211 = vector.shape_cast %get3A_210 : vector<1x16xf32> to vector<16xf32>
          %max3A_212 = arith.maximumf %max3A, %get3A_203 : vector<16xf32>
          %max3A_213 = arith.maximumf %max3A_169, %get3A_211 : vector<16xf32>
          %eq3A_214 = arith.constant 0.000000e+00 : f32
          %eq3A_215 = vector.broadcast %eq3A_214 : f32 to vector<16xf32>
          %eq3A_216 = arith.cmpf oeq, %get3A_203, %eq3A_215 : vector<16xf32>
          %jit3A_217 = arith.constant -1.000000e+30 : f32
          %broadcast_in_dim3A_218 = vector.broadcast %jit3A_217 : f32 to vector<16xf32>
          %select_n3A_219 = arith.select %eq3A_216, %broadcast_in_dim3A_218, %get3A_203 : vector<16xi1>, vector<16xf32>
          %eq3A_220 = arith.constant 0.000000e+00 : f32
          %eq3A_221 = vector.broadcast %eq3A_220 : f32 to vector<16xf32>
          %eq3A_222 = arith.cmpf oeq, %get3A_211, %eq3A_221 : vector<16xf32>
          %jit3A_223 = arith.constant -1.000000e+30 : f32
          %broadcast_in_dim3A_224 = vector.broadcast %jit3A_223 : f32 to vector<16xf32>
          %select_n3A_225 = arith.select %eq3A_222, %broadcast_in_dim3A_224, %get3A_211 : vector<16xi1>, vector<16xf32>
          %bitcast_convert_type3A_226 = tpu.bitcast %select_n3A_219 : vector<16xf32> -> vector<16xi32>
          %bitcast_convert_type3A_227 = tpu.bitcast %select_n3A_225 : vector<16xf32> -> vector<16xi32>
          %shift_right_logical3A_228 = arith.constant 16 : i32
          %shift_right_logical3A_229 = vector.broadcast %shift_right_logical3A_228 : i32 to vector<16xi32>
          %shift_right_logical3A_230 = arith.shrui %bitcast_convert_type3A_226, %shift_right_logical3A_229 : vector<16xi32>
          %and3A_231 = arith.andi %bitcast_convert_type3A_227, %broadcast_in_dim3A_11 : vector<16xi32>
          %or3A_232 = arith.ori %shift_right_logical3A_230, %and3A_231 : vector<16xi32>
          %mul3A_233 = arith.constant 128 : i32
          %mul3A_234 = arith.muli %add3A_87, %mul3A_233 : i32
          %add3A_235 = arith.addi %mul3A_234, %add3A_195 : i32
          %swap3A_236 = arith.index_cast %add3A_235 : i32 to index
          %swap3A_237 = arith.constant 0 : index
          %swap3A_238 = tpu.vector_load %arg7[%swap3A_236, %swap3A_237] {strides = array<i32>} : memref<4096x16xi32, #tpu.memory_space<vmem>>, vector<1x16xi32>,
          %swap3A_239 = vector.shape_cast %swap3A_238 : vector<1x16xi32> to vector<16xi32>
          %swap3A_240 = vector.shape_cast %or3A_232 : vector<16xi32> to vector<1x16xi32>
          tpu.vector_store %arg7[%swap3A_236, %swap3A_237], %swap3A_240 {strides = array<i32>} : memref<4096x16xi32, #tpu.memory_space<vmem>>, vector<1x16xi32>,
          %mul3A_241 = arith.constant 4 : i32
          %mul3A_242 = arith.muli %mul3A_241, %scan3A_147 : i32
          %add3A_243 = arith.constant 2 : i32
          %add3A_244 = arith.addi %mul3A_242, %add3A_243 : i32
          %get3A_245 = arith.constant 0 : i32
          %get3A_246 = arith.constant 0 : i32
          %get3A_247 = tpu.memref_slice %arg6[%scan3A_102, %get3A_245, %get3A_246] : memref<2x128x32xf32, #tpu.memory_space<vmem>> -> memref<1x128x32xf32, #tpu.memory_space<vmem>>
          %get3A_248 = tpu.memref_squeeze %get3A_247 : memref<1x128x32xf32, #tpu.memory_space<vmem>> -> memref<128x32xf32, #tpu.memory_space<vmem>>
          %get3A_249 = arith.index_cast %add3A_244 : i32 to index
          %get3A_250 = arith.constant 0 : index
          %get3A_251 = tpu.vector_load %get3A_248[%get3A_249, %get3A_250] {strides = array<i32>} : memref<128x32xf32, #tpu.memory_space<vmem>>, vector<1x16xf32>,
          %get3A_252 = vector.shape_cast %get3A_251 : vector<1x16xf32> to vector<16xf32>
          %get3A_253 = arith.constant 0 : i32
          %get3A_254 = arith.constant 0 : i32
          %get3A_255 = tpu.memref_slice %arg6[%scan3A_102, %get3A_253, %get3A_254] : memref<2x128x32xf32, #tpu.memory_space<vmem>> -> memref<1x128x32xf32, #tpu.memory_space<vmem>>
          %get3A_256 = tpu.memref_squeeze %get3A_255 : memref<1x128x32xf32, #tpu.memory_space<vmem>> -> memref<128x32xf32, #tpu.memory_space<vmem>>
          %get3A_257 = arith.index_cast %add3A_244 : i32 to index
          %get3A_258 = arith.constant 16 : index
          %get3A_259 = tpu.vector_load %get3A_256[%get3A_257, %get3A_258] {strides = array<i32>} : memref<128x32xf32, #tpu.memory_space<vmem>>, vector<1x16xf32>,
          %get3A_260 = vector.shape_cast %get3A_259 : vector<1x16xf32> to vector<16xf32>
          %max3A_261 = arith.maximumf %max3A_212, %get3A_252 : vector<16xf32>
          %max3A_262 = arith.maximumf %max3A_213, %get3A_260 : vector<16xf32>
          %eq3A_263 = arith.constant 0.000000e+00 : f32
          %eq3A_264 = vector.broadcast %eq3A_263 : f32 to vector<16xf32>
          %eq3A_265 = arith.cmpf oeq, %get3A_252, %eq3A_264 : vector<16xf32>
          %jit3A_266 = arith.constant -1.000000e+30 : f32
          %broadcast_in_dim3A_267 = vector.broadcast %jit3A_266 : f32 to vector<16xf32>
          %select_n3A_268 = arith.select %eq3A_265, %broadcast_in_dim3A_267, %get3A_252 : vector<16xi1>, vector<16xf32>
          %eq3A_269 = arith.constant 0.000000e+00 : f32
          %eq3A_270 = vector.broadcast %eq3A_269 : f32 to vector<16xf32>
          %eq3A_271 = arith.cmpf oeq, %get3A_260, %eq3A_270 : vector<16xf32>
          %jit3A_272 = arith.constant -1.000000e+30 : f32
          %broadcast_in_dim3A_273 = vector.broadcast %jit3A_272 : f32 to vector<16xf32>
          %select_n3A_274 = arith.select %eq3A_271, %broadcast_in_dim3A_273, %get3A_260 : vector<16xi1>, vector<16xf32>
          %bitcast_convert_type3A_275 = tpu.bitcast %select_n3A_268 : vector<16xf32> -> vector<16xi32>
          %bitcast_convert_type3A_276 = tpu.bitcast %select_n3A_274 : vector<16xf32> -> vector<16xi32>
          %shift_right_logical3A_277 = arith.constant 16 : i32
          %shift_right_logical3A_278 = vector.broadcast %shift_right_logical3A_277 : i32 to vector<16xi32>
          %shift_right_logical3A_279 = arith.shrui %bitcast_convert_type3A_275, %shift_right_logical3A_278 : vector<16xi32>
          %and3A_280 = arith.andi %bitcast_convert_type3A_276, %broadcast_in_dim3A_11 : vector<16xi32>
          %or3A_281 = arith.ori %shift_right_logical3A_279, %and3A_280 : vector<16xi32>
          %mul3A_282 = arith.constant 128 : i32
          %mul3A_283 = arith.muli %add3A_87, %mul3A_282 : i32
          %add3A_284 = arith.addi %mul3A_283, %add3A_244 : i32
          %swap3A_285 = arith.index_cast %add3A_284 : i32 to index
          %swap3A_286 = arith.constant 0 : index
          %swap3A_287 = tpu.vector_load %arg7[%swap3A_285, %swap3A_286] {strides = array<i32>} : memref<4096x16xi32, #tpu.memory_space<vmem>>, vector<1x16xi32>,
          %swap3A_288 = vector.shape_cast %swap3A_287 : vector<1x16xi32> to vector<16xi32>
          %swap3A_289 = vector.shape_cast %or3A_281 : vector<16xi32> to vector<1x16xi32>
          tpu.vector_store %arg7[%swap3A_285, %swap3A_286], %swap3A_289 {strides = array<i32>} : memref<4096x16xi32, #tpu.memory_space<vmem>>, vector<1x16xi32>,
          %mul3A_290 = arith.constant 4 : i32
          %mul3A_291 = arith.muli %mul3A_290, %scan3A_147 : i32
          %add3A_292 = arith.constant 3 : i32
          %add3A_293 = arith.addi %mul3A_291, %add3A_292 : i32
          %get3A_294 = arith.constant 0 : i32
          %get3A_295 = arith.constant 0 : i32
          %get3A_296 = tpu.memref_slice %arg6[%scan3A_102, %get3A_294, %get3A_295] : memref<2x128x32xf32, #tpu.memory_space<vmem>> -> memref<1x128x32xf32, #tpu.memory_space<vmem>>
          %get3A_297 = tpu.memref_squeeze %get3A_296 : memref<1x128x32xf32, #tpu.memory_space<vmem>> -> memref<128x32xf32, #tpu.memory_space<vmem>>
          %get3A_298 = arith.index_cast %add3A_293 : i32 to index
          %get3A_299 = arith.constant 0 : index
          %get3A_300 = tpu.vector_load %get3A_297[%get3A_298, %get3A_299] {strides = array<i32>} : memref<128x32xf32, #tpu.memory_space<vmem>>, vector<1x16xf32>,
          %get3A_301 = vector.shape_cast %get3A_300 : vector<1x16xf32> to vector<16xf32>
          %get3A_302 = arith.constant 0 : i32
          %get3A_303 = arith.constant 0 : i32
          %get3A_304 = tpu.memref_slice %arg6[%scan3A_102, %get3A_302, %get3A_303] : memref<2x128x32xf32, #tpu.memory_space<vmem>> -> memref<1x128x32xf32, #tpu.memory_space<vmem>>
          %get3A_305 = tpu.memref_squeeze %get3A_304 : memref<1x128x32xf32, #tpu.memory_space<vmem>> -> memref<128x32xf32, #tpu.memory_space<vmem>>
          %get3A_306 = arith.index_cast %add3A_293 : i32 to index
          %get3A_307 = arith.constant 16 : index
          %get3A_308 = tpu.vector_load %get3A_305[%get3A_306, %get3A_307] {strides = array<i32>} : memref<128x32xf32, #tpu.memory_space<vmem>>, vector<1x16xf32>,
          %get3A_309 = vector.shape_cast %get3A_308 : vector<1x16xf32> to vector<16xf32>
          %max3A_310 = arith.maximumf %max3A_261, %get3A_301 : vector<16xf32>
          %max3A_311 = arith.maximumf %max3A_262, %get3A_309 : vector<16xf32>
          %eq3A_312 = arith.constant 0.000000e+00 : f32
          %eq3A_313 = vector.broadcast %eq3A_312 : f32 to vector<16xf32>
          %eq3A_314 = arith.cmpf oeq, %get3A_301, %eq3A_313 : vector<16xf32>
          %jit3A_315 = arith.constant -1.000000e+30 : f32
          %broadcast_in_dim3A_316 = vector.broadcast %jit3A_315 : f32 to vector<16xf32>
          %select_n3A_317 = arith.select %eq3A_314, %broadcast_in_dim3A_316, %get3A_301 : vector<16xi1>, vector<16xf32>
          %eq3A_318 = arith.constant 0.000000e+00 : f32
          %eq3A_319 = vector.broadcast %eq3A_318 : f32 to vector<16xf32>
          %eq3A_320 = arith.cmpf oeq, %get3A_309, %eq3A_319 : vector<16xf32>
          %jit3A_321 = arith.constant -1.000000e+30 : f32
          %broadcast_in_dim3A_322 = vector.broadcast %jit3A_321 : f32 to vector<16xf32>
          %select_n3A_323 = arith.select %eq3A_320, %broadcast_in_dim3A_322, %get3A_309 : vector<16xi1>, vector<16xf32>
          %bitcast_convert_type3A_324 = tpu.bitcast %select_n3A_317 : vector<16xf32> -> vector<16xi32>
          %bitcast_convert_type3A_325 = tpu.bitcast %select_n3A_323 : vector<16xf32> -> vector<16xi32>
          %shift_right_logical3A_326 = arith.constant 16 : i32
          %shift_right_logical3A_327 = vector.broadcast %shift_right_logical3A_326 : i32 to vector<16xi32>
          %shift_right_logical3A_328 = arith.shrui %bitcast_convert_type3A_324, %shift_right_logical3A_327 : vector<16xi32>
          %and3A_329 = arith.andi %bitcast_convert_type3A_325, %broadcast_in_dim3A_11 : vector<16xi32>
          %or3A_330 = arith.ori %shift_right_logical3A_328, %and3A_329 : vector<16xi32>
          %mul3A_331 = arith.constant 128 : i32
          %mul3A_332 = arith.muli %add3A_87, %mul3A_331 : i32
          %add3A_333 = arith.addi %mul3A_332, %add3A_293 : i32
          %swap3A_334 = arith.index_cast %add3A_333 : i32 to index
          %swap3A_335 = arith.constant 0 : index
          %swap3A_336 = tpu.vector_load %arg7[%swap3A_334, %swap3A_335] {strides = array<i32>} : memref<4096x16xi32, #tpu.memory_space<vmem>>, vector<1x16xi32>,
          %swap3A_337 = vector.shape_cast %swap3A_336 : vector<1x16xi32> to vector<16xi32>
          %swap3A_338 = vector.shape_cast %or3A_330 : vector<16xi32> to vector<1x16xi32>
          tpu.vector_store %arg7[%swap3A_334, %swap3A_335], %swap3A_338 {strides = array<i32>} : memref<4096x16xi32, #tpu.memory_space<vmem>>, vector<1x16xi32>,
          scf.yield %max3A_310, %max3A_311 : vector<16xf32>, vector<16xf32>
        }
        %scan3A_108 = arith.constant 32 : i32
        %add3A_109 = arith.constant 2 : i32
        %add3A_110 = arith.addi %add3A_87, %add3A_109 : i32
        %lt3A_111 = arith.constant 32 : i32
        %lt3A_112 = arith.cmpi slt, %add3A_110, %lt3A_111 : i32
        %convert_element_type3A = arith.extui %lt3A_112 : i1 to i32
        %cond3A = arith.constant 0 : i32
        %cond3A_113 = arith.cmpi ne, %convert_element_type3A, %cond3A : i32
        scf.if %cond3A_113 {
          %add3A_147 = arith.constant 2 : i32
          %add3A_148 = arith.addi %add3A_87, %add3A_147 : i32
          %dma_start3A_149 = arith.constant 0 : i32
          %dma_start3A_150 = arith.constant 0 : i32
          %dma_start3A_151 = arith.constant 0 : i32
          %dma_start3A_152 = tpu.memref_slice %arg6[%dma_start3A_149, %dma_start3A_150, %dma_start3A_151] : memref<2x128x32xf32, #tpu.memory_space<vmem>> -> memref<1x128x32xf32, #tpu.memory_space<vmem>>
          %dma_start3A_153 = tpu.memref_squeeze %dma_start3A_152 : memref<1x128x32xf32, #tpu.memory_space<vmem>> -> memref<128x32xf32, #tpu.memory_space<vmem>>
          %dma_start3A_154 = arith.constant 0 : i32
          %dma_start3A_155 = tpu.memref_slice %arg5[%add3A_148, %dma_start3A_154] : memref<32x128xi32, #tpu.memory_space<vmem>> -> memref<1x128xi32, #tpu.memory_space<vmem>>
          %dma_start3A_156 = tpu.memref_squeeze %dma_start3A_155 : memref<1x128xi32, #tpu.memory_space<vmem>> -> memref<128xi32, #tpu.memory_space<vmem>>
          %dma_start3A_157 = arith.constant 0 : i32
          %dma_start3A_158 = arith.constant 0 : i32
          %dma_start3A_159 = tpu.memref_slice %arg2[%dma_start3A_157, %dma_start3A_158] : memref<1000000x32xf32, #tpu.memory_space<hbm>> -> memref<1000000x32xf32, #tpu.memory_space<hbm>>
          tpu.enqueue_indirect_dma source(%dma_start3A_159 : memref<1000000x32xf32, #tpu.memory_space<hbm>>) target(%dma_start3A_153 : memref<128x32xf32, #tpu.memory_space<vmem>>) offsets(%dma_start3A_156 : memref<128xi32, #tpu.memory_space<vmem>>) semaphore(%arg9 : memref<!tpu.dma_semaphore, #tpu.memory_space<semaphore_mem>>)
        } else {
        }
        %mul3A_114 = arith.constant 2 : i32
        %mul3A_115 = arith.muli %mul3A_114, %scan3A_81 : i32
        %add3A_116 = arith.constant 1 : i32
        %add3A_117 = arith.addi %mul3A_115, %add3A_116 : i32
        %dma_wait3A_118 = arith.constant 1 : i32
        %dma_wait3A_119 = arith.constant 0 : i32
        %dma_wait3A_120 = arith.constant 0 : i32
        %dma_wait3A_121 = tpu.memref_slice %arg6[%dma_wait3A_118, %dma_wait3A_119, %dma_wait3A_120] : memref<2x128x32xf32, #tpu.memory_space<vmem>> -> memref<1x128x32xf32, #tpu.memory_space<vmem>>
        %dma_wait3A_122 = tpu.memref_squeeze %dma_wait3A_121 : memref<1x128x32xf32, #tpu.memory_space<vmem>> -> memref<128x32xf32, #tpu.memory_space<vmem>>
        %dma_wait3A_123 = arith.constant 0 : i32
        %dma_wait3A_124 = arith.constant 0 : i32
        %dma_wait3A_125 = tpu.memref_slice %arg2[%dma_wait3A_123, %dma_wait3A_124] : memref<1000000x32xf32, #tpu.memory_space<hbm>> -> memref<128x32xf32, #tpu.memory_space<hbm>>
        %dma_wait3A_126 = arith.constant 0 : i32
        %dma_wait3A_127 = arith.constant 0 : i32
        %dma_wait3A_128 = tpu.memref_slice %arg6[%dma_wait3A_118, %dma_wait3A_126, %dma_wait3A_127] : memref<2x128x32xf32, #tpu.memory_space<vmem>> -> memref<1x128x32xf32, #tpu.memory_space<vmem>>
        %dma_wait3A_129 = tpu.memref_squeeze %dma_wait3A_128 : memref<1x128x32xf32, #tpu.memory_space<vmem>> -> memref<128x32xf32, #tpu.memory_space<vmem>>
        %dma_wait3A_130 = arith.constant 0 : i32
        %dma_wait3A_131 = arith.constant 0 : i32
        %dma_wait3A_132 = tpu.memref_slice %arg2[%dma_wait3A_130, %dma_wait3A_131] : memref<1000000x32xf32, #tpu.memory_space<hbm>> -> memref<128x32xf32, #tpu.memory_space<hbm>>
        tpu.wait_dma2 semaphore(%arg10 : memref<!tpu.dma_semaphore, #tpu.memory_space<semaphore_mem>>) src(%dma_wait3A_132 : memref<128x32xf32, #tpu.memory_space<hbm>>) dst(%dma_wait3A_129 : memref<128x32xf32, #tpu.memory_space<vmem>>)
        %scan3A_133 = arith.constant 1 : i32
        %scan3A_134 = arith.constant 0 : i32
        %scan3A_135 = arith.constant 32 : i32
        %scan3A_136 = arith.addi %scan3A_134, %scan3A_135 : i32
        %scan3A_137 = arith.constant 1 : i32
        %scan3A_138:2 = scf.for %scan3A_147 = %scan3A_134 to %scan3A_136 step %scan3A_137 iter_args(%scan3A_148 = %scan3A_107#0, %scan3A_149 = %scan3A_107#1) -> (vector<16xf32>, vector<16xf32>)  : i32 {
          %mul3A_150 = arith.constant 4 : i32
          %mul3A_151 = arith.muli %mul3A_150, %scan3A_147 : i32
          %add3A_152 = arith.constant 0 : i32
          %add3A_153 = arith.addi %mul3A_151, %add3A_152 : i32
          %get3A = arith.constant 0 : i32
          %get3A_154 = arith.constant 0 : i32
          %get3A_155 = tpu.memref_slice %arg6[%scan3A_133, %get3A, %get3A_154] : memref<2x128x32xf32, #tpu.memory_space<vmem>> -> memref<1x128x32xf32, #tpu.memory_space<vmem>>
          %get3A_156 = tpu.memref_squeeze %get3A_155 : memref<1x128x32xf32, #tpu.memory_space<vmem>> -> memref<128x32xf32, #tpu.memory_space<vmem>>
          %get3A_157 = arith.index_cast %add3A_153 : i32 to index
          %get3A_158 = arith.constant 0 : index
          %get3A_159 = tpu.vector_load %get3A_156[%get3A_157, %get3A_158] {strides = array<i32>} : memref<128x32xf32, #tpu.memory_space<vmem>>, vector<1x16xf32>,
          %get3A_160 = vector.shape_cast %get3A_159 : vector<1x16xf32> to vector<16xf32>
          %get3A_161 = arith.constant 0 : i32
          %get3A_162 = arith.constant 0 : i32
          %get3A_163 = tpu.memref_slice %arg6[%scan3A_133, %get3A_161, %get3A_162] : memref<2x128x32xf32, #tpu.memory_space<vmem>> -> memref<1x128x32xf32, #tpu.memory_space<vmem>>
          %get3A_164 = tpu.memref_squeeze %get3A_163 : memref<1x128x32xf32, #tpu.memory_space<vmem>> -> memref<128x32xf32, #tpu.memory_space<vmem>>
          %get3A_165 = arith.index_cast %add3A_153 : i32 to index
          %get3A_166 = arith.constant 16 : index
          %get3A_167 = tpu.vector_load %get3A_164[%get3A_165, %get3A_166] {strides = array<i32>} : memref<128x32xf32, #tpu.memory_space<vmem>>, vector<1x16xf32>,
          %get3A_168 = vector.shape_cast %get3A_167 : vector<1x16xf32> to vector<16xf32>
          %max3A = arith.maximumf %scan3A_148, %get3A_160 : vector<16xf32>
          %max3A_169 = arith.maximumf %scan3A_149, %get3A_168 : vector<16xf32>
          %eq3A = arith.constant 0.000000e+00 : f32
          %eq3A_170 = vector.broadcast %eq3A : f32 to vector<16xf32>
          %eq3A_171 = arith.cmpf oeq, %get3A_160, %eq3A_170 : vector<16xf32>
          %jit3A_172 = arith.constant -1.000000e+30 : f32
          %broadcast_in_dim3A_173 = vector.broadcast %jit3A_172 : f32 to vector<16xf32>
          %select_n3A_174 = arith.select %eq3A_171, %broadcast_in_dim3A_173, %get3A_160 : vector<16xi1>, vector<16xf32>
          %eq3A_175 = arith.constant 0.000000e+00 : f32
          %eq3A_176 = vector.broadcast %eq3A_175 : f32 to vector<16xf32>
          %eq3A_177 = arith.cmpf oeq, %get3A_168, %eq3A_176 : vector<16xf32>
          %jit3A_178 = arith.constant -1.000000e+30 : f32
          %broadcast_in_dim3A_179 = vector.broadcast %jit3A_178 : f32 to vector<16xf32>
          %select_n3A_180 = arith.select %eq3A_177, %broadcast_in_dim3A_179, %get3A_168 : vector<16xi1>, vector<16xf32>
          %bitcast_convert_type3A = tpu.bitcast %select_n3A_174 : vector<16xf32> -> vector<16xi32>
          %bitcast_convert_type3A_181 = tpu.bitcast %select_n3A_180 : vector<16xf32> -> vector<16xi32>
          %shift_right_logical3A = arith.constant 16 : i32
          %shift_right_logical3A_182 = vector.broadcast %shift_right_logical3A : i32 to vector<16xi32>
          %shift_right_logical3A_183 = arith.shrui %bitcast_convert_type3A, %shift_right_logical3A_182 : vector<16xi32>
          %and3A = arith.andi %bitcast_convert_type3A_181, %broadcast_in_dim3A_11 : vector<16xi32>
          %or3A = arith.ori %shift_right_logical3A_183, %and3A : vector<16xi32>
          %mul3A_184 = arith.constant 128 : i32
          %mul3A_185 = arith.muli %add3A_117, %mul3A_184 : i32
          %add3A_186 = arith.addi %mul3A_185, %add3A_153 : i32
          %swap3A_187 = arith.index_cast %add3A_186 : i32 to index
          %swap3A_188 = arith.constant 0 : index
          %swap3A_189 = tpu.vector_load %arg7[%swap3A_187, %swap3A_188] {strides = array<i32>} : memref<4096x16xi32, #tpu.memory_space<vmem>>, vector<1x16xi32>,
          %swap3A_190 = vector.shape_cast %swap3A_189 : vector<1x16xi32> to vector<16xi32>
          %swap3A_191 = vector.shape_cast %or3A : vector<16xi32> to vector<1x16xi32>
          tpu.vector_store %arg7[%swap3A_187, %swap3A_188], %swap3A_191 {strides = array<i32>} : memref<4096x16xi32, #tpu.memory_space<vmem>>, vector<1x16xi32>,
          %mul3A_192 = arith.constant 4 : i32
          %mul3A_193 = arith.muli %mul3A_192, %scan3A_147 : i32
          %add3A_194 = arith.constant 1 : i32
          %add3A_195 = arith.addi %mul3A_193, %add3A_194 : i32
          %get3A_196 = arith.constant 0 : i32
          %get3A_197 = arith.constant 0 : i32
          %get3A_198 = tpu.memref_slice %arg6[%scan3A_133, %get3A_196, %get3A_197] : memref<2x128x32xf32, #tpu.memory_space<vmem>> -> memref<1x128x32xf32, #tpu.memory_space<vmem>>
          %get3A_199 = tpu.memref_squeeze %get3A_198 : memref<1x128x32xf32, #tpu.memory_space<vmem>> -> memref<128x32xf32, #tpu.memory_space<vmem>>
          %get3A_200 = arith.index_cast %add3A_195 : i32 to index
          %get3A_201 = arith.constant 0 : index
          %get3A_202 = tpu.vector_load %get3A_199[%get3A_200, %get3A_201] {strides = array<i32>} : memref<128x32xf32, #tpu.memory_space<vmem>>, vector<1x16xf32>,
          %get3A_203 = vector.shape_cast %get3A_202 : vector<1x16xf32> to vector<16xf32>
          %get3A_204 = arith.constant 0 : i32
          %get3A_205 = arith.constant 0 : i32
          %get3A_206 = tpu.memref_slice %arg6[%scan3A_133, %get3A_204, %get3A_205] : memref<2x128x32xf32, #tpu.memory_space<vmem>> -> memref<1x128x32xf32, #tpu.memory_space<vmem>>
          %get3A_207 = tpu.memref_squeeze %get3A_206 : memref<1x128x32xf32, #tpu.memory_space<vmem>> -> memref<128x32xf32, #tpu.memory_space<vmem>>
          %get3A_208 = arith.index_cast %add3A_195 : i32 to index
          %get3A_209 = arith.constant 16 : index
          %get3A_210 = tpu.vector_load %get3A_207[%get3A_208, %get3A_209] {strides = array<i32>} : memref<128x32xf32, #tpu.memory_space<vmem>>, vector<1x16xf32>,
          %get3A_211 = vector.shape_cast %get3A_210 : vector<1x16xf32> to vector<16xf32>
          %max3A_212 = arith.maximumf %max3A, %get3A_203 : vector<16xf32>
          %max3A_213 = arith.maximumf %max3A_169, %get3A_211 : vector<16xf32>
          %eq3A_214 = arith.constant 0.000000e+00 : f32
          %eq3A_215 = vector.broadcast %eq3A_214 : f32 to vector<16xf32>
          %eq3A_216 = arith.cmpf oeq, %get3A_203, %eq3A_215 : vector<16xf32>
          %jit3A_217 = arith.constant -1.000000e+30 : f32
          %broadcast_in_dim3A_218 = vector.broadcast %jit3A_217 : f32 to vector<16xf32>
          %select_n3A_219 = arith.select %eq3A_216, %broadcast_in_dim3A_218, %get3A_203 : vector<16xi1>, vector<16xf32>
          %eq3A_220 = arith.constant 0.000000e+00 : f32
          %eq3A_221 = vector.broadcast %eq3A_220 : f32 to vector<16xf32>
          %eq3A_222 = arith.cmpf oeq, %get3A_211, %eq3A_221 : vector<16xf32>
          %jit3A_223 = arith.constant -1.000000e+30 : f32
          %broadcast_in_dim3A_224 = vector.broadcast %jit3A_223 : f32 to vector<16xf32>
          %select_n3A_225 = arith.select %eq3A_222, %broadcast_in_dim3A_224, %get3A_211 : vector<16xi1>, vector<16xf32>
          %bitcast_convert_type3A_226 = tpu.bitcast %select_n3A_219 : vector<16xf32> -> vector<16xi32>
          %bitcast_convert_type3A_227 = tpu.bitcast %select_n3A_225 : vector<16xf32> -> vector<16xi32>
          %shift_right_logical3A_228 = arith.constant 16 : i32
          %shift_right_logical3A_229 = vector.broadcast %shift_right_logical3A_228 : i32 to vector<16xi32>
          %shift_right_logical3A_230 = arith.shrui %bitcast_convert_type3A_226, %shift_right_logical3A_229 : vector<16xi32>
          %and3A_231 = arith.andi %bitcast_convert_type3A_227, %broadcast_in_dim3A_11 : vector<16xi32>
          %or3A_232 = arith.ori %shift_right_logical3A_230, %and3A_231 : vector<16xi32>
          %mul3A_233 = arith.constant 128 : i32
          %mul3A_234 = arith.muli %add3A_117, %mul3A_233 : i32
          %add3A_235 = arith.addi %mul3A_234, %add3A_195 : i32
          %swap3A_236 = arith.index_cast %add3A_235 : i32 to index
          %swap3A_237 = arith.constant 0 : index
          %swap3A_238 = tpu.vector_load %arg7[%swap3A_236, %swap3A_237] {strides = array<i32>} : memref<4096x16xi32, #tpu.memory_space<vmem>>, vector<1x16xi32>,
          %swap3A_239 = vector.shape_cast %swap3A_238 : vector<1x16xi32> to vector<16xi32>
          %swap3A_240 = vector.shape_cast %or3A_232 : vector<16xi32> to vector<1x16xi32>
          tpu.vector_store %arg7[%swap3A_236, %swap3A_237], %swap3A_240 {strides = array<i32>} : memref<4096x16xi32, #tpu.memory_space<vmem>>, vector<1x16xi32>,
          %mul3A_241 = arith.constant 4 : i32
          %mul3A_242 = arith.muli %mul3A_241, %scan3A_147 : i32
          %add3A_243 = arith.constant 2 : i32
          %add3A_244 = arith.addi %mul3A_242, %add3A_243 : i32
          %get3A_245 = arith.constant 0 : i32
          %get3A_246 = arith.constant 0 : i32
          %get3A_247 = tpu.memref_slice %arg6[%scan3A_133, %get3A_245, %get3A_246] : memref<2x128x32xf32, #tpu.memory_space<vmem>> -> memref<1x128x32xf32, #tpu.memory_space<vmem>>
          %get3A_248 = tpu.memref_squeeze %get3A_247 : memref<1x128x32xf32, #tpu.memory_space<vmem>> -> memref<128x32xf32, #tpu.memory_space<vmem>>
          %get3A_249 = arith.index_cast %add3A_244 : i32 to index
          %get3A_250 = arith.constant 0 : index
          %get3A_251 = tpu.vector_load %get3A_248[%get3A_249, %get3A_250] {strides = array<i32>} : memref<128x32xf32, #tpu.memory_space<vmem>>, vector<1x16xf32>,
          %get3A_252 = vector.shape_cast %get3A_251 : vector<1x16xf32> to vector<16xf32>
          %get3A_253 = arith.constant 0 : i32
          %get3A_254 = arith.constant 0 : i32
          %get3A_255 = tpu.memref_slice %arg6[%scan3A_133, %get3A_253, %get3A_254] : memref<2x128x32xf32, #tpu.memory_space<vmem>> -> memref<1x128x32xf32, #tpu.memory_space<vmem>>
          %get3A_256 = tpu.memref_squeeze %get3A_255 : memref<1x128x32xf32, #tpu.memory_space<vmem>> -> memref<128x32xf32, #tpu.memory_space<vmem>>
          %get3A_257 = arith.index_cast %add3A_244 : i32 to index
          %get3A_258 = arith.constant 16 : index
          %get3A_259 = tpu.vector_load %get3A_256[%get3A_257, %get3A_258] {strides = array<i32>} : memref<128x32xf32, #tpu.memory_space<vmem>>, vector<1x16xf32>,
          %get3A_260 = vector.shape_cast %get3A_259 : vector<1x16xf32> to vector<16xf32>
          %max3A_261 = arith.maximumf %max3A_212, %get3A_252 : vector<16xf32>
          %max3A_262 = arith.maximumf %max3A_213, %get3A_260 : vector<16xf32>
          %eq3A_263 = arith.constant 0.000000e+00 : f32
          %eq3A_264 = vector.broadcast %eq3A_263 : f32 to vector<16xf32>
          %eq3A_265 = arith.cmpf oeq, %get3A_252, %eq3A_264 : vector<16xf32>
          %jit3A_266 = arith.constant -1.000000e+30 : f32
          %broadcast_in_dim3A_267 = vector.broadcast %jit3A_266 : f32 to vector<16xf32>
          %select_n3A_268 = arith.select %eq3A_265, %broadcast_in_dim3A_267, %get3A_252 : vector<16xi1>, vector<16xf32>
          %eq3A_269 = arith.constant 0.000000e+00 : f32
          %eq3A_270 = vector.broadcast %eq3A_269 : f32 to vector<16xf32>
          %eq3A_271 = arith.cmpf oeq, %get3A_260, %eq3A_270 : vector<16xf32>
          %jit3A_272 = arith.constant -1.000000e+30 : f32
          %broadcast_in_dim3A_273 = vector.broadcast %jit3A_272 : f32 to vector<16xf32>
          %select_n3A_274 = arith.select %eq3A_271, %broadcast_in_dim3A_273, %get3A_260 : vector<16xi1>, vector<16xf32>
          %bitcast_convert_type3A_275 = tpu.bitcast %select_n3A_268 : vector<16xf32> -> vector<16xi32>
          %bitcast_convert_type3A_276 = tpu.bitcast %select_n3A_274 : vector<16xf32> -> vector<16xi32>
          %shift_right_logical3A_277 = arith.constant 16 : i32
          %shift_right_logical3A_278 = vector.broadcast %shift_right_logical3A_277 : i32 to vector<16xi32>
          %shift_right_logical3A_279 = arith.shrui %bitcast_convert_type3A_275, %shift_right_logical3A_278 : vector<16xi32>
          %and3A_280 = arith.andi %bitcast_convert_type3A_276, %broadcast_in_dim3A_11 : vector<16xi32>
          %or3A_281 = arith.ori %shift_right_logical3A_279, %and3A_280 : vector<16xi32>
          %mul3A_282 = arith.constant 128 : i32
          %mul3A_283 = arith.muli %add3A_117, %mul3A_282 : i32
          %add3A_284 = arith.addi %mul3A_283, %add3A_244 : i32
          %swap3A_285 = arith.index_cast %add3A_284 : i32 to index
          %swap3A_286 = arith.constant 0 : index
          %swap3A_287 = tpu.vector_load %arg7[%swap3A_285, %swap3A_286] {strides = array<i32>} : memref<4096x16xi32, #tpu.memory_space<vmem>>, vector<1x16xi32>,
          %swap3A_288 = vector.shape_cast %swap3A_287 : vector<1x16xi32> to vector<16xi32>
          %swap3A_289 = vector.shape_cast %or3A_281 : vector<16xi32> to vector<1x16xi32>
          tpu.vector_store %arg7[%swap3A_285, %swap3A_286], %swap3A_289 {strides = array<i32>} : memref<4096x16xi32, #tpu.memory_space<vmem>>, vector<1x16xi32>,
          %mul3A_290 = arith.constant 4 : i32
          %mul3A_291 = arith.muli %mul3A_290, %scan3A_147 : i32
          %add3A_292 = arith.constant 3 : i32
          %add3A_293 = arith.addi %mul3A_291, %add3A_292 : i32
          %get3A_294 = arith.constant 0 : i32
          %get3A_295 = arith.constant 0 : i32
          %get3A_296 = tpu.memref_slice %arg6[%scan3A_133, %get3A_294, %get3A_295] : memref<2x128x32xf32, #tpu.memory_space<vmem>> -> memref<1x128x32xf32, #tpu.memory_space<vmem>>
          %get3A_297 = tpu.memref_squeeze %get3A_296 : memref<1x128x32xf32, #tpu.memory_space<vmem>> -> memref<128x32xf32, #tpu.memory_space<vmem>>
          %get3A_298 = arith.index_cast %add3A_293 : i32 to index
          %get3A_299 = arith.constant 0 : index
          %get3A_300 = tpu.vector_load %get3A_297[%get3A_298, %get3A_299] {strides = array<i32>} : memref<128x32xf32, #tpu.memory_space<vmem>>, vector<1x16xf32>,
          %get3A_301 = vector.shape_cast %get3A_300 : vector<1x16xf32> to vector<16xf32>
          %get3A_302 = arith.constant 0 : i32
          %get3A_303 = arith.constant 0 : i32
          %get3A_304 = tpu.memref_slice %arg6[%scan3A_133, %get3A_302, %get3A_303] : memref<2x128x32xf32, #tpu.memory_space<vmem>> -> memref<1x128x32xf32, #tpu.memory_space<vmem>>
          %get3A_305 = tpu.memref_squeeze %get3A_304 : memref<1x128x32xf32, #tpu.memory_space<vmem>> -> memref<128x32xf32, #tpu.memory_space<vmem>>
          %get3A_306 = arith.index_cast %add3A_293 : i32 to index
          %get3A_307 = arith.constant 16 : index
          %get3A_308 = tpu.vector_load %get3A_305[%get3A_306, %get3A_307] {strides = array<i32>} : memref<128x32xf32, #tpu.memory_space<vmem>>, vector<1x16xf32>,
          %get3A_309 = vector.shape_cast %get3A_308 : vector<1x16xf32> to vector<16xf32>
          %max3A_310 = arith.maximumf %max3A_261, %get3A_301 : vector<16xf32>
          %max3A_311 = arith.maximumf %max3A_262, %get3A_309 : vector<16xf32>
          %eq3A_312 = arith.constant 0.000000e+00 : f32
          %eq3A_313 = vector.broadcast %eq3A_312 : f32 to vector<16xf32>
          %eq3A_314 = arith.cmpf oeq, %get3A_301, %eq3A_313 : vector<16xf32>
          %jit3A_315 = arith.constant -1.000000e+30 : f32
          %broadcast_in_dim3A_316 = vector.broadcast %jit3A_315 : f32 to vector<16xf32>
          %select_n3A_317 = arith.select %eq3A_314, %broadcast_in_dim3A_316, %get3A_301 : vector<16xi1>, vector<16xf32>
          %eq3A_318 = arith.constant 0.000000e+00 : f32
          %eq3A_319 = vector.broadcast %eq3A_318 : f32 to vector<16xf32>
          %eq3A_320 = arith.cmpf oeq, %get3A_309, %eq3A_319 : vector<16xf32>
          %jit3A_321 = arith.constant -1.000000e+30 : f32
          %broadcast_in_dim3A_322 = vector.broadcast %jit3A_321 : f32 to vector<16xf32>
          %select_n3A_323 = arith.select %eq3A_320, %broadcast_in_dim3A_322, %get3A_309 : vector<16xi1>, vector<16xf32>
          %bitcast_convert_type3A_324 = tpu.bitcast %select_n3A_317 : vector<16xf32> -> vector<16xi32>
          %bitcast_convert_type3A_325 = tpu.bitcast %select_n3A_323 : vector<16xf32> -> vector<16xi32>
          %shift_right_logical3A_326 = arith.constant 16 : i32
          %shift_right_logical3A_327 = vector.broadcast %shift_right_logical3A_326 : i32 to vector<16xi32>
          %shift_right_logical3A_328 = arith.shrui %bitcast_convert_type3A_324, %shift_right_logical3A_327 : vector<16xi32>
          %and3A_329 = arith.andi %bitcast_convert_type3A_325, %broadcast_in_dim3A_11 : vector<16xi32>
          %or3A_330 = arith.ori %shift_right_logical3A_328, %and3A_329 : vector<16xi32>
          %mul3A_331 = arith.constant 128 : i32
          %mul3A_332 = arith.muli %add3A_117, %mul3A_331 : i32
          %add3A_333 = arith.addi %mul3A_332, %add3A_293 : i32
          %swap3A_334 = arith.index_cast %add3A_333 : i32 to index
          %swap3A_335 = arith.constant 0 : index
          %swap3A_336 = tpu.vector_load %arg7[%swap3A_334, %swap3A_335] {strides = array<i32>} : memref<4096x16xi32, #tpu.memory_space<vmem>>, vector<1x16xi32>,
          %swap3A_337 = vector.shape_cast %swap3A_336 : vector<1x16xi32> to vector<16xi32>
          %swap3A_338 = vector.shape_cast %or3A_330 : vector<16xi32> to vector<1x16xi32>
          tpu.vector_store %arg7[%swap3A_334, %swap3A_335], %swap3A_338 {strides = array<i32>} : memref<4096x16xi32, #tpu.memory_space<vmem>>, vector<1x16xi32>,
          scf.yield %max3A_310, %max3A_311 : vector<16xf32>, vector<16xf32>
        }
        %scan3A_139 = arith.constant 32 : i32
        %add3A_140 = arith.constant 2 : i32
        %add3A_141 = arith.addi %add3A_117, %add3A_140 : i32
        %lt3A_142 = arith.constant 32 : i32
        %lt3A_143 = arith.cmpi slt, %add3A_141, %lt3A_142 : i32
        %convert_element_type3A_144 = arith.extui %lt3A_143 : i1 to i32
        %cond3A_145 = arith.constant 0 : i32
        %cond3A_146 = arith.cmpi ne, %convert_element_type3A_144, %cond3A_145 : i32
        scf.if %cond3A_146 {
          %add3A_147 = arith.constant 2 : i32
          %add3A_148 = arith.addi %add3A_117, %add3A_147 : i32
          %dma_start3A_149 = arith.constant 1 : i32
          %dma_start3A_150 = arith.constant 0 : i32
          %dma_start3A_151 = arith.constant 0 : i32
          %dma_start3A_152 = tpu.memref_slice %arg6[%dma_start3A_149, %dma_start3A_150, %dma_start3A_151] : memref<2x128x32xf32, #tpu.memory_space<vmem>> -> memref<1x128x32xf32, #tpu.memory_space<vmem>>
          %dma_start3A_153 = tpu.memref_squeeze %dma_start3A_152 : memref<1x128x32xf32, #tpu.memory_space<vmem>> -> memref<128x32xf32, #tpu.memory_space<vmem>>
          %dma_start3A_154 = arith.constant 0 : i32
          %dma_start3A_155 = tpu.memref_slice %arg5[%add3A_148, %dma_start3A_154] : memref<32x128xi32, #tpu.memory_space<vmem>> -> memref<1x128xi32, #tpu.memory_space<vmem>>
          %dma_start3A_156 = tpu.memref_squeeze %dma_start3A_155 : memref<1x128xi32, #tpu.memory_space<vmem>> -> memref<128xi32, #tpu.memory_space<vmem>>
          %dma_start3A_157 = arith.constant 0 : i32
          %dma_start3A_158 = arith.constant 0 : i32
          %dma_start3A_159 = tpu.memref_slice %arg2[%dma_start3A_157, %dma_start3A_158] : memref<1000000x32xf32, #tpu.memory_space<hbm>> -> memref<1000000x32xf32, #tpu.memory_space<hbm>>
          tpu.enqueue_indirect_dma source(%dma_start3A_159 : memref<1000000x32xf32, #tpu.memory_space<hbm>>) target(%dma_start3A_153 : memref<128x32xf32, #tpu.memory_space<vmem>>) offsets(%dma_start3A_156 : memref<128xi32, #tpu.memory_space<vmem>>) semaphore(%arg10 : memref<!tpu.dma_semaphore, #tpu.memory_space<semaphore_mem>>)
        } else {
        }
        scf.yield %scan3A_138#0, %scan3A_138#1 : vector<16xf32>, vector<16xf32>
      }
      %scan3A_50 = arith.constant 16 : i32
      %scan3A_51 = arith.constant 0 : i32
      %scan3A_52 = arith.constant 1024 : i32
      %scan3A_53 = arith.addi %scan3A_51, %scan3A_52 : i32
      %scan3A_54 = arith.constant 1 : i32
      %scan3A_55:2 = scf.for %scan3A_81 = %scan3A_51 to %scan3A_53 step %scan3A_54 iter_args(%scan3A_82 = %broadcast_in_dim3A_9, %scan3A_83 = %broadcast_in_dim3A_9) -> (vector<16xf32>, vector<16xf32>)  : i32 {
        %mul3A_84 = arith.constant 4 : i32
        %mul3A_85 = arith.muli %mul3A_84, %scan3A_81 : i32
        %add3A_86 = arith.constant 0 : i32
        %add3A_87 = arith.addi %mul3A_85, %add3A_86 : i32
        %get3A = arith.index_cast %add3A_87 : i32 to index
        %get3A_88 = arith.constant 0 : index
        %get3A_89 = tpu.vector_load %arg7[%get3A, %get3A_88] {strides = array<i32>} : memref<4096x16xi32, #tpu.memory_space<vmem>>, vector<1x16xi32>,
        %get3A_90 = vector.shape_cast %get3A_89 : vector<1x16xi32> to vector<16xi32>
        %shift_left3A = arith.constant 16 : i32
        %shift_left3A_91 = vector.broadcast %shift_left3A : i32 to vector<16xi32>
        %shift_left3A_92 = arith.shli %get3A_90, %shift_left3A_91 : vector<16xi32>
        %bitcast_convert_type3A = tpu.bitcast %shift_left3A_92 : vector<16xi32> -> vector<16xf32>
        %and3A = arith.andi %get3A_90, %broadcast_in_dim3A_11 : vector<16xi32>
        %bitcast_convert_type3A_93 = tpu.bitcast %and3A : vector<16xi32> -> vector<16xf32>
        %sub3A = arith.subf %bitcast_convert_type3A, %scan3A_49#0 : vector<16xf32>
        %exp3A = math.exp %sub3A : vector<16xf32>
        %add3A_94 = arith.addf %scan3A_82, %exp3A : vector<16xf32>
        %sub3A_95 = arith.subf %bitcast_convert_type3A_93, %scan3A_49#1 : vector<16xf32>
        %exp3A_96 = math.exp %sub3A_95 : vector<16xf32>
        %add3A_97 = arith.addf %scan3A_83, %exp3A_96 : vector<16xf32>
        %mul3A_98 = arith.constant 4 : i32
        %mul3A_99 = arith.muli %mul3A_98, %scan3A_81 : i32
        %add3A_100 = arith.constant 1 : i32
        %add3A_101 = arith.addi %mul3A_99, %add3A_100 : i32
        %get3A_102 = arith.index_cast %add3A_101 : i32 to index
        %get3A_103 = arith.constant 0 : index
        %get3A_104 = tpu.vector_load %arg7[%get3A_102, %get3A_103] {strides = array<i32>} : memref<4096x16xi32, #tpu.memory_space<vmem>>, vector<1x16xi32>,
        %get3A_105 = vector.shape_cast %get3A_104 : vector<1x16xi32> to vector<16xi32>
        %shift_left3A_106 = arith.constant 16 : i32
        %shift_left3A_107 = vector.broadcast %shift_left3A_106 : i32 to vector<16xi32>
        %shift_left3A_108 = arith.shli %get3A_105, %shift_left3A_107 : vector<16xi32>
        %bitcast_convert_type3A_109 = tpu.bitcast %shift_left3A_108 : vector<16xi32> -> vector<16xf32>
        %and3A_110 = arith.andi %get3A_105, %broadcast_in_dim3A_11 : vector<16xi32>
        %bitcast_convert_type3A_111 = tpu.bitcast %and3A_110 : vector<16xi32> -> vector<16xf32>
        %sub3A_112 = arith.subf %bitcast_convert_type3A_109, %scan3A_49#0 : vector<16xf32>
        %exp3A_113 = math.exp %sub3A_112 : vector<16xf32>
        %add3A_114 = arith.addf %add3A_94, %exp3A_113 : vector<16xf32>
        %sub3A_115 = arith.subf %bitcast_convert_type3A_111, %scan3A_49#1 : vector<16xf32>
        %exp3A_116 = math.exp %sub3A_115 : vector<16xf32>
        %add3A_117 = arith.addf %add3A_97, %exp3A_116 : vector<16xf32>
        %mul3A_118 = arith.constant 4 : i32
        %mul3A_119 = arith.muli %mul3A_118, %scan3A_81 : i32
        %add3A_120 = arith.constant 2 : i32
        %add3A_121 = arith.addi %mul3A_119, %add3A_120 : i32
        %get3A_122 = arith.index_cast %add3A_121 : i32 to index
        %get3A_123 = arith.constant 0 : index
        %get3A_124 = tpu.vector_load %arg7[%get3A_122, %get3A_123] {strides = array<i32>} : memref<4096x16xi32, #tpu.memory_space<vmem>>, vector<1x16xi32>,
        %get3A_125 = vector.shape_cast %get3A_124 : vector<1x16xi32> to vector<16xi32>
        %shift_left3A_126 = arith.constant 16 : i32
        %shift_left3A_127 = vector.broadcast %shift_left3A_126 : i32 to vector<16xi32>
        %shift_left3A_128 = arith.shli %get3A_125, %shift_left3A_127 : vector<16xi32>
        %bitcast_convert_type3A_129 = tpu.bitcast %shift_left3A_128 : vector<16xi32> -> vector<16xf32>
        %and3A_130 = arith.andi %get3A_125, %broadcast_in_dim3A_11 : vector<16xi32>
        %bitcast_convert_type3A_131 = tpu.bitcast %and3A_130 : vector<16xi32> -> vector<16xf32>
        %sub3A_132 = arith.subf %bitcast_convert_type3A_129, %scan3A_49#0 : vector<16xf32>
        %exp3A_133 = math.exp %sub3A_132 : vector<16xf32>
        %add3A_134 = arith.addf %add3A_114, %exp3A_133 : vector<16xf32>
        %sub3A_135 = arith.subf %bitcast_convert_type3A_131, %scan3A_49#1 : vector<16xf32>
        %exp3A_136 = math.exp %sub3A_135 : vector<16xf32>
        %add3A_137 = arith.addf %add3A_117, %exp3A_136 : vector<16xf32>
        %mul3A_138 = arith.constant 4 : i32
        %mul3A_139 = arith.muli %mul3A_138, %scan3A_81 : i32
        %add3A_140 = arith.constant 3 : i32
        %add3A_141 = arith.addi %mul3A_139, %add3A_140 : i32
        %get3A_142 = arith.index_cast %add3A_141 : i32 to index
        %get3A_143 = arith.constant 0 : index
        %get3A_144 = tpu.vector_load %arg7[%get3A_142, %get3A_143] {strides = array<i32>} : memref<4096x16xi32, #tpu.memory_space<vmem>>, vector<1x16xi32>,
        %get3A_145 = vector.shape_cast %get3A_144 : vector<1x16xi32> to vector<16xi32>
        %shift_left3A_146 = arith.constant 16 : i32
        %shift_left3A_147 = vector.broadcast %shift_left3A_146 : i32 to vector<16xi32>
        %shift_left3A_148 = arith.shli %get3A_145, %shift_left3A_147 : vector<16xi32>
        %bitcast_convert_type3A_149 = tpu.bitcast %shift_left3A_148 : vector<16xi32> -> vector<16xf32>
        %and3A_150 = arith.andi %get3A_145, %broadcast_in_dim3A_11 : vector<16xi32>
        %bitcast_convert_type3A_151 = tpu.bitcast %and3A_150 : vector<16xi32> -> vector<16xf32>
        %sub3A_152 = arith.subf %bitcast_convert_type3A_149, %scan3A_49#0 : vector<16xf32>
        %exp3A_153 = math.exp %sub3A_152 : vector<16xf32>
        %add3A_154 = arith.addf %add3A_134, %exp3A_153 : vector<16xf32>
        %sub3A_155 = arith.subf %bitcast_convert_type3A_151, %scan3A_49#1 : vector<16xf32>
        %exp3A_156 = math.exp %sub3A_155 : vector<16xf32>
        %add3A_157 = arith.addf %add3A_137, %exp3A_156 : vector<16xf32>
        scf.yield %add3A_154, %add3A_157 : vector<16xf32>, vector<16xf32>
      }
      %scan3A_56 = arith.constant 1024 : i32
      %div3A = arith.constant 1.000000e+00 : f32
      %div3A_57 = vector.broadcast %div3A : f32 to vector<16xf32>
      %div3A_58 = arith.divf %div3A_57, %scan3A_55#0 : vector<16xf32>
      %div3A_59 = arith.constant 1.000000e+00 : f32
      %div3A_60 = vector.broadcast %div3A_59 : f32 to vector<16xf32>
      %div3A_61 = arith.divf %div3A_60, %scan3A_55#1 : vector<16xf32>
      %scan3A_62 = arith.constant 0 : i32
      %scan3A_63 = arith.constant 1024 : i32
      %scan3A_64 = arith.addi %scan3A_62, %scan3A_63 : i32
      %scan3A_65 = arith.constant 1 : i32
      %scan3A_66:2 = scf.for %scan3A_81 = %scan3A_62 to %scan3A_64 step %scan3A_65 iter_args(%scan3A_82 = %broadcast_in_dim3A_9, %scan3A_83 = %broadcast_in_dim3A_9) -> (vector<16xf32>, vector<16xf32>)  : i32 {
        %mul3A_84 = arith.constant 4 : i32
        %mul3A_85 = arith.muli %mul3A_84, %scan3A_81 : i32
        %add3A_86 = arith.constant 0 : i32
        %add3A_87 = arith.addi %mul3A_85, %add3A_86 : i32
        %get3A = arith.index_cast %add3A_87 : i32 to index
        %get3A_88 = arith.constant 0 : index
        %get3A_89 = tpu.vector_load %arg7[%get3A, %get3A_88] {strides = array<i32>} : memref<4096x16xi32, #tpu.memory_space<vmem>>, vector<1x16xi32>,
        %get3A_90 = vector.shape_cast %get3A_89 : vector<1x16xi32> to vector<16xi32>
        %shift_left3A = arith.constant 16 : i32
        %shift_left3A_91 = vector.broadcast %shift_left3A : i32 to vector<16xi32>
        %shift_left3A_92 = arith.shli %get3A_90, %shift_left3A_91 : vector<16xi32>
        %bitcast_convert_type3A = tpu.bitcast %shift_left3A_92 : vector<16xi32> -> vector<16xf32>
        %and3A = arith.andi %get3A_90, %broadcast_in_dim3A_11 : vector<16xi32>
        %bitcast_convert_type3A_93 = tpu.bitcast %and3A : vector<16xi32> -> vector<16xf32>
        %sub3A = arith.subf %bitcast_convert_type3A, %scan3A_49#0 : vector<16xf32>
        %exp3A = math.exp %sub3A : vector<16xf32>
        %mul3A_94 = arith.mulf %exp3A, %div3A_58 : vector<16xf32>
        %add3A_95 = arith.addf %scan3A_82, %mul3A_94 : vector<16xf32>
        %sub3A_96 = arith.subf %bitcast_convert_type3A_93, %scan3A_49#1 : vector<16xf32>
        %exp3A_97 = math.exp %sub3A_96 : vector<16xf32>
        %mul3A_98 = arith.mulf %exp3A_97, %div3A_61 : vector<16xf32>
        %add3A_99 = arith.addf %scan3A_83, %mul3A_98 : vector<16xf32>
        %mul3A_100 = arith.constant 4 : i32
        %mul3A_101 = arith.muli %mul3A_100, %scan3A_81 : i32
        %add3A_102 = arith.constant 1 : i32
        %add3A_103 = arith.addi %mul3A_101, %add3A_102 : i32
        %get3A_104 = arith.index_cast %add3A_103 : i32 to index
        %get3A_105 = arith.constant 0 : index
        %get3A_106 = tpu.vector_load %arg7[%get3A_104, %get3A_105] {strides = array<i32>} : memref<4096x16xi32, #tpu.memory_space<vmem>>, vector<1x16xi32>,
        %get3A_107 = vector.shape_cast %get3A_106 : vector<1x16xi32> to vector<16xi32>
        %shift_left3A_108 = arith.constant 16 : i32
        %shift_left3A_109 = vector.broadcast %shift_left3A_108 : i32 to vector<16xi32>
        %shift_left3A_110 = arith.shli %get3A_107, %shift_left3A_109 : vector<16xi32>
        %bitcast_convert_type3A_111 = tpu.bitcast %shift_left3A_110 : vector<16xi32> -> vector<16xf32>
        %and3A_112 = arith.andi %get3A_107, %broadcast_in_dim3A_11 : vector<16xi32>
        %bitcast_convert_type3A_113 = tpu.bitcast %and3A_112 : vector<16xi32> -> vector<16xf32>
        %sub3A_114 = arith.subf %bitcast_convert_type3A_111, %scan3A_49#0 : vector<16xf32>
        %exp3A_115 = math.exp %sub3A_114 : vector<16xf32>
        %mul3A_116 = arith.mulf %exp3A_115, %div3A_58 : vector<16xf32>
        %add3A_117 = arith.addf %add3A_95, %mul3A_116 : vector<16xf32>
        %sub3A_118 = arith.subf %bitcast_convert_type3A_113, %scan3A_49#1 : vector<16xf32>
        %exp3A_119 = math.exp %sub3A_118 : vector<16xf32>
        %mul3A_120 = arith.mulf %exp3A_119, %div3A_61 : vector<16xf32>
        %add3A_121 = arith.addf %add3A_99, %mul3A_120 : vector<16xf32>
        %mul3A_122 = arith.constant 4 : i32
        %mul3A_123 = arith.muli %mul3A_122, %scan3A_81 : i32
        %add3A_124 = arith.constant 2 : i32
        %add3A_125 = arith.addi %mul3A_123, %add3A_124 : i32
        %get3A_126 = arith.index_cast %add3A_125 : i32 to index
        %get3A_127 = arith.constant 0 : index
        %get3A_128 = tpu.vector_load %arg7[%get3A_126, %get3A_127] {strides = array<i32>} : memref<4096x16xi32, #tpu.memory_space<vmem>>, vector<1x16xi32>,
        %get3A_129 = vector.shape_cast %get3A_128 : vector<1x16xi32> to vector<16xi32>
        %shift_left3A_130 = arith.constant 16 : i32
        %shift_left3A_131 = vector.broadcast %shift_left3A_130 : i32 to vector<16xi32>
        %shift_left3A_132 = arith.shli %get3A_129, %shift_left3A_131 : vector<16xi32>
        %bitcast_convert_type3A_133 = tpu.bitcast %shift_left3A_132 : vector<16xi32> -> vector<16xf32>
        %and3A_134 = arith.andi %get3A_129, %broadcast_in_dim3A_11 : vector<16xi32>
        %bitcast_convert_type3A_135 = tpu.bitcast %and3A_134 : vector<16xi32> -> vector<16xf32>
        %sub3A_136 = arith.subf %bitcast_convert_type3A_133, %scan3A_49#0 : vector<16xf32>
        %exp3A_137 = math.exp %sub3A_136 : vector<16xf32>
        %mul3A_138 = arith.mulf %exp3A_137, %div3A_58 : vector<16xf32>
        %add3A_139 = arith.addf %add3A_117, %mul3A_138 : vector<16xf32>
        %sub3A_140 = arith.subf %bitcast_convert_type3A_135, %scan3A_49#1 : vector<16xf32>
        %exp3A_141 = math.exp %sub3A_140 : vector<16xf32>
        %mul3A_142 = arith.mulf %exp3A_141, %div3A_61 : vector<16xf32>
        %add3A_143 = arith.addf %add3A_121, %mul3A_142 : vector<16xf32>
        %mul3A_144 = arith.constant 4 : i32
        %mul3A_145 = arith.muli %mul3A_144, %scan3A_81 : i32
        %add3A_146 = arith.constant 3 : i32
        %add3A_147 = arith.addi %mul3A_145, %add3A_146 : i32
        %get3A_148 = arith.index_cast %add3A_147 : i32 to index
        %get3A_149 = arith.constant 0 : index
        %get3A_150 = tpu.vector_load %arg7[%get3A_148, %get3A_149] {strides = array<i32>} : memref<4096x16xi32, #tpu.memory_space<vmem>>, vector<1x16xi32>,
        %get3A_151 = vector.shape_cast %get3A_150 : vector<1x16xi32> to vector<16xi32>
        %shift_left3A_152 = arith.constant 16 : i32
        %shift_left3A_153 = vector.broadcast %shift_left3A_152 : i32 to vector<16xi32>
        %shift_left3A_154 = arith.shli %get3A_151, %shift_left3A_153 : vector<16xi32>
        %bitcast_convert_type3A_155 = tpu.bitcast %shift_left3A_154 : vector<16xi32> -> vector<16xf32>
        %and3A_156 = arith.andi %get3A_151, %broadcast_in_dim3A_11 : vector<16xi32>
        %bitcast_convert_type3A_157 = tpu.bitcast %and3A_156 : vector<16xi32> -> vector<16xf32>
        %sub3A_158 = arith.subf %bitcast_convert_type3A_155, %scan3A_49#0 : vector<16xf32>
        %exp3A_159 = math.exp %sub3A_158 : vector<16xf32>
        %mul3A_160 = arith.mulf %exp3A_159, %div3A_58 : vector<16xf32>
        %add3A_161 = arith.addf %add3A_139, %mul3A_160 : vector<16xf32>
        %sub3A_162 = arith.subf %bitcast_convert_type3A_157, %scan3A_49#1 : vector<16xf32>
        %exp3A_163 = math.exp %sub3A_162 : vector<16xf32>
        %mul3A_164 = arith.mulf %exp3A_163, %div3A_61 : vector<16xf32>
        %add3A_165 = arith.addf %add3A_143, %mul3A_164 : vector<16xf32>
        scf.yield %add3A_161, %add3A_165 : vector<16xf32>, vector<16xf32>
      }
      %scan3A_67 = arith.constant 1024 : i32
      %mul3A_68 = arith.constant 2.44140625E-4 : f32
      %mul3A_69 = vector.broadcast %mul3A_68 : f32 to vector<16xf32>
      %mul3A_70 = arith.mulf %scan3A_66#0, %mul3A_69 : vector<16xf32>
      %swap3A = arith.constant 0 : index
      %swap3A_71 = tpu.vector_load %arg8[%swap3A] {strides = array<i32>} : memref<32xf32, #tpu.memory_space<vmem>>, vector<16xf32>,
      %swap3A_72 = vector.shape_cast %swap3A_71 : vector<16xf32> to vector<16xf32>
      %swap3A_73 = vector.shape_cast %mul3A_70 : vector<16xf32> to vector<16xf32>
      tpu.vector_store %arg8[%swap3A], %swap3A_73 {strides = array<i32>} : memref<32xf32, #tpu.memory_space<vmem>>, vector<16xf32>,
      %mul3A_74 = arith.constant 2.44140625E-4 : f32
      %mul3A_75 = vector.broadcast %mul3A_74 : f32 to vector<16xf32>
      %mul3A_76 = arith.mulf %scan3A_66#1, %mul3A_75 : vector<16xf32>
      %swap3A_77 = arith.constant 16 : index
      %swap3A_78 = tpu.vector_load %arg8[%swap3A_77] {strides = array<i32>} : memref<32xf32, #tpu.memory_space<vmem>>, vector<16xf32>,
      %swap3A_79 = vector.shape_cast %swap3A_78 : vector<16xf32> to vector<16xf32>
      %swap3A_80 = vector.shape_cast %mul3A_76 : vector<16xf32> to vector<16xf32>
      tpu.vector_store %arg8[%swap3A_77], %swap3A_80 {strides = array<i32>} : memref<32xf32, #tpu.memory_space<vmem>>, vector<16xf32>,
      "tpu.region"() ({
        %run_scoped3A = tpu.sem_alloc : memref<!tpu.dma_semaphore, #tpu.memory_space<semaphore_mem>>
        %dma_start3A_81 = arith.constant 0 : i32
        %dma_start3A_82 = tpu.memref_slice %arg4[%add3A_22, %dma_start3A_81] : memref<200x32xf32, #tpu.memory_space<hbm>> -> memref<1x32xf32, #tpu.memory_space<hbm>>
        %dma_start3A_83 = tpu.memref_squeeze %dma_start3A_82 : memref<1x32xf32, #tpu.memory_space<hbm>> -> memref<32xf32, #tpu.memory_space<hbm>>
        %dma_start3A_84 = arith.constant 0 : i32
        %dma_start3A_85 = tpu.memref_slice %arg4[%add3A_22, %dma_start3A_84] : memref<200x32xf32, #tpu.memory_space<hbm>> -> memref<1x32xf32, #tpu.memory_space<hbm>>
        %dma_start3A_86 = tpu.memref_squeeze %dma_start3A_85 : memref<1x32xf32, #tpu.memory_space<hbm>> -> memref<32xf32, #tpu.memory_space<hbm>>
        tpu.enqueue_dma source(%arg8 : memref<32xf32, #tpu.memory_space<vmem>>) target(%dma_start3A_86 : memref<32xf32, #tpu.memory_space<hbm>>) target_semaphore(%run_scoped3A : memref<!tpu.dma_semaphore, #tpu.memory_space<semaphore_mem>>)
        %dma_wait3A = arith.constant 0 : i32
        %dma_wait3A_87 = tpu.memref_slice %arg4[%add3A_22, %dma_wait3A] : memref<200x32xf32, #tpu.memory_space<hbm>> -> memref<1x32xf32, #tpu.memory_space<hbm>>
        %dma_wait3A_88 = tpu.memref_squeeze %dma_wait3A_87 : memref<1x32xf32, #tpu.memory_space<hbm>> -> memref<32xf32, #tpu.memory_space<hbm>>
        %dma_wait3A_89 = arith.constant 0 : i32
        %dma_wait3A_90 = tpu.memref_slice %arg4[%add3A_22, %dma_wait3A_89] : memref<200x32xf32, #tpu.memory_space<hbm>> -> memref<1x32xf32, #tpu.memory_space<hbm>>
        %dma_wait3A_91 = tpu.memref_squeeze %dma_wait3A_90 : memref<1x32xf32, #tpu.memory_space<hbm>> -> memref<32xf32, #tpu.memory_space<hbm>>
        tpu.wait_dma2 semaphore(%run_scoped3A : memref<!tpu.dma_semaphore, #tpu.memory_space<semaphore_mem>>) src(%arg8 : memref<32xf32, #tpu.memory_space<vmem>>) dst(%dma_wait3A_91 : memref<32xf32, #tpu.memory_space<hbm>>)
        tpu.yield
      }) : () -> ()
    }
    return
  }
}

module attributes {stable_mosaic.version = 14 : i64} {
  func.func @body(%arg0: i32, %arg1: memref<8x4096xi32, #tpu.memory_space<vmem>>, %arg2: memref<8x32x128xi32, #tpu.memory_space<vmem>>) attributes {dimension_semantics = [#tpu.dimension_semantics<arbitrary>], iteration_bounds = array<i64: 25>, scalar_prefetch = 0 : i64, scratch_operands = 0 : i64, tpu.core_type = #tpu.core_type<tc>, window_params = [{transform_indices = @transform_0, window_bounds = array<i64: 8, 4096>}, {transform_indices = @transform_1, window_bounds = array<i64: 8, 32, 128>}]} {
    %get3A = arith.constant 0 : index
    %get3A_0 = arith.constant 0 : index
    %get3A_1 = vector.load %arg1[%get3A, %get3A_0] : memref<8x4096xi32, #tpu.memory_space<vmem>>, vector<8x4096xi32>
    %reshape3A = vector.shape_cast %get3A_1 : vector<8x4096xi32> to vector<8x32x128xi32>
    %swap3A = arith.constant 0 : index
    %swap3A_2 = arith.constant 0 : index
    %swap3A_3 = arith.constant 0 : index
    %swap3A_4 = vector.load %arg2[%swap3A, %swap3A_2, %swap3A_3] : memref<8x32x128xi32, #tpu.memory_space<vmem>>, vector<8x32x128xi32>
    tpu.vector_store %arg2[%swap3A, %swap3A_2, %swap3A_3], %reshape3A {strides = array<i32>} : memref<8x32x128xi32, #tpu.memory_space<vmem>>, vector<8x32x128xi32>,
    return
  }
  func.func @transform_0(%arg0: i32) -> (i32, i32) {
    %c0_i32 = arith.constant 0 : i32
    %c0_i32_0 = arith.constant 0 : i32
    return %arg0, %c0_i32 : i32, i32
  }
  func.func @transform_1(%arg0: i32) -> (i32, i32, i32) {
    %c0_i32 = arith.constant 0 : i32
    %c0_i32_0 = arith.constant 0 : i32
    %c0_i32_1 = arith.constant 0 : i32
    return %arg0, %c0_i32, %c0_i32_0 : i32, i32, i32
  }
}

module attributes {stable_mosaic.version = 14 : i64} {
  func.func @body(%arg0: memref<200x32xf32, #tpu.memory_space<vmem>>, %arg1: memref<32x2xf32, #tpu.memory_space<vmem>>, %arg2: memref<1x2xf32, #tpu.memory_space<vmem>>, %arg3: memref<200x2xf32, #tpu.memory_space<vmem>>) attributes {dimension_semantics = [], scalar_prefetch = 0 : i64, scratch_operands = 0 : i64, tpu.core_type = #tpu.core_type<tc>} {
    %get3A = arith.constant 0 : index
    %get3A_0 = arith.constant 0 : index
    %get3A_1 = vector.load %arg0[%get3A, %get3A_0] : memref<200x32xf32, #tpu.memory_space<vmem>>, vector<200x32xf32>
    %get3A_2 = arith.constant 0 : index
    %get3A_3 = arith.constant 0 : index
    %get3A_4 = vector.load %arg1[%get3A_2, %get3A_3] : memref<32x2xf32, #tpu.memory_space<vmem>>, vector<32x2xf32>
    %dot_general3A = arith.constant dense<0.000000e+00> : vector<200x2xf32>
    %dot_general3A_5 = tpu.matmul %get3A_1, %get3A_4, %dot_general3A {dimension_numbers = #tpu.dot_dimension_numbers<[1], [0], [0], [1], [0, 0, 1, 1], [], []>, transpose_lhs_hint = false} : vector<200x32xf32>, vector<32x2xf32>, vector<200x2xf32> -> vector<200x2xf32>
    %get3A_6 = arith.constant 0 : index
    %get3A_7 = arith.constant 0 : index
    %get3A_8 = vector.load %arg2[%get3A_6, %get3A_7] : memref<1x2xf32, #tpu.memory_space<vmem>>, vector<1x2xf32>
    %add3A = vector.broadcast %get3A_8 : vector<1x2xf32> to vector<200x2xf32>
    %add3A_9 = arith.addf %dot_general3A_5, %add3A : vector<200x2xf32>
    %swap3A = arith.constant 0 : index
    %swap3A_10 = arith.constant 0 : index
    %swap3A_11 = vector.load %arg3[%swap3A, %swap3A_10] : memref<200x2xf32, #tpu.memory_space<vmem>>, vector<200x2xf32>
    tpu.vector_store %arg3[%swap3A, %swap3A_10], %add3A_9 {strides = array<i32>} : memref<200x2xf32, #tpu.memory_space<vmem>>, vector<200x2xf32>,
    return
  }
}

</mosaic_0001>

<sc_bundles>
// kernel: kernel.5.cloned.1.call-start
scs
__scs_entry_jumppad:
0x0: {  	(pc) =	sbr.rel $0x88, $3  }
0x1: {  	(tag) =	ssettag $0x0;
	lr =	simm.s32 $0x1  }
0x2: {  	[smem:$0x3F9D] =	sst lr;
	_ =	strace $0xD0000000  }
0x3: {  	_ = 	snop  }
0x4: {  	_ = 	snop  }
0x5: {  	_ = 	snop  }
0x6: {  	_ = 	snop  }
0x7: {  	_ = 	snop  }
__scs_overlays_trampoline_lowered:
0x8: {  	[smem:$0x3FAC] =	sst s0  }
0x9: {  	[smem:$0x3FAD] =	sst s1  }
0xa: {  	[smem:$0x3FAE] =	sst s2  }
0xb: {  	[smem:$0x3FAF] =	sst s3  }
0xc: {  	[smem:$0x3FB0] =	sst s4  }
0xd: {  	[smem:$0x3FB1] =	sst s5  }
0xe: {  	[smem:$0x3FB2] =	sst s6  }
0xf: {  	[smem:$0x3FB3] =	sst s7  }
0x10: {  	[smem:$0x3FB4] =	sst s8  }
0x11: {  	[smem:$0x3FB5] =	sst s9;
	s0 =	simm.s32 @!p0 $0x0  }
0x12: {  	s1 =	sld [smem:$0x3F9B];
	s0 =	simm.s32 @p0 $0x1  }
0x13: {  	[smem:$0x3FB6] =	sst s0;
	s0 =	simm.s32 @!p1 $0x0  }
0x14: {  	s2 =	sld [smem:$0x3F9A];
	s0 =	simm.s32 @p1 $0x1  }
0x15: {  	[smem:$0x3FB7] =	sst s0;
	s0 =	simm.s32 @!p2 $0x0  }
0x16: {  	s3 =	sld [smem:$0x3FDB];
	s0 =	simm.s32 @p2 $0x1  }
0x17: {  	s4 =	simm.s32 $0x1BF5;
	[smem:$0x3FB9] =	sst s0  }
0x18: {  	s0 =	sld [smem:$0x3F9C];
	_ =	swait.ge [sflag:s4], $0x0  }
0x19: {  	s7 =	sld [smem:$0x3F9D]  }
0x1a: {  	s8 =	sadd.s32 $0xFFFFE003, lr  }
0x1b: {  	s9 =	sadd.s32 $0xFFFFFEF7, lr;
	s5 =	simm.s32 $0xFFFFFFFF;
	p2 =	slt.u32 s8, $0xFFFFF086  }
0x1c: {  	p1 =	slt.u32 s9, $0xF7A;
	s5 =	simm.s32 @!p2 $0x0  }
0x1d: {  	s5 =	simm.s32 @p1 $0x1;
	p0 =	seq.s32 s7, s2  }
0x1e: {  	s7 =	smul.u32 @!p0 $0xF7A, s2;
	p2 =	seq.s32 @!p0 s5, $0x0  }
0x1f: {  	s9 =	smul.u32 $0xF7A, s1;
	s8 =	simm.s32 @!p0 $0x1BF5;
	p2 =	por !p2, p0  }
0x20: {  	[sflag:s8] =	ssyncset.s32 @!p0 $0xFFFFF086;
	s6 =	sadd.s32 @!p0 s3, s7;
	s7 =	simm.s32 @!p0 $0x108  }
0x21: {  	s3 =	sadd.s32 s3, s9;
	s6 =	sadd.s32 @!p0 $0x88, s6;
	s7 =	simm.s32 @p2 $0x1082  }
0x22: {  	[simem:s7], [sflag:s8] =	dma.local @!p0 [hbm:s6], $0xF7A  }
0x23: {  	s9 =	sor.u32 $0xD0000000, s2;
	s6 =	simm.s32 $0x108;
	_ =	swait.ge @!p0 [sflag:s8], $0x0  }
0x24: {  	s3 =	sadd.s32 $0x88, s3;
	s6 =	simm.s32 @!p1 $0x1082;
	[sflag:s4] =	ssyncset.s32 $0xFFFFF086  }
0x25: {  	[simem:s6], [sflag:s4] =	dma.local [hbm:s3], $0xF7A  }
0x26: {  	[smem:$0x3F9D] =	sst s1;
	(tag) =	ssettag s2;
	_ =	strace s9  }
0x27: {  	s1 =	sld [smem:$0x3FAD]  }
0x28: {  	s2 =	sld [smem:$0x3FAE]  }
0x29: {  	s4 =	sld [smem:$0x3FB0]  }
0x2a: {  	p0 =	seq.s32 s5, $0x0;
	s5 =	sld [smem:$0x3FB1]  }
0x2b: {  	s6 =	sld [smem:$0x3FB2]  }
0x2c: {  	s7 =	sld [smem:$0x3FB3]  }
0x2d: {  	s3 =	simm.s32 $0x108;
	s8 =	sld [smem:$0x3FB4]  }
0x2e: {  	s3 =	simm.s32 @!p0 $0x1082;
	s9 =	sld [smem:$0x3FB5]  }
0x2f: {  	lr =	sadd.s32 s0, s3;
	s0 =	sld [smem:$0x3FAC]  }
0x30: {  	s3 =	sld [smem:$0x3FAF]  }
0x31: {  	[smem:$0x3FB8] =	sst s10  }
0x32: {  	s10 =	sld [smem:$0x3FB6];
	_ =	sdelay $0x3  }
0x33: {  	p0 =	seq.s32 s10, $0x1;
	s10 =	sld [smem:$0x3FB8];
	_ =	sdelay $0x3  }
0x34: {  	[smem:$0x3FB8] =	sst s10  }
0x35: {  	s10 =	sld [smem:$0x3FB7];
	_ =	sdelay $0x3  }
0x36: {  	p1 =	seq.s32 s10, $0x1;
	s10 =	sld [smem:$0x3FB8];
	_ =	sdelay $0x3  }
0x37: {  	[smem:$0x3FB8] =	sst s10  }
0x38: {  	s10 =	sld [smem:$0x3FB9]  }
0x39: {  	_ = 	snop;
	(pc) =	sbr.ind lr, $3  }
0x3a: {  	_ = 	snop  }
0x3b: {  	_ = 	snop  }
0x3c: {  	p2 =	seq.s32 s10, $0x1;
	s10 =	sld [smem:$0x3FB8]  }
0x3d: {  	_ =	shalt  }
0x3e: {  	_ =	shalt  }
0x3f: {  	_ =	shalt  }
0x40: {  	_ =	shalt  }
0x41: {  	_ =	shalt  }
0x42: {  	_ =	shalt  }
0x43: {  	_ =	shalt  }
0x44: {  	_ =	shalt  }
0x45: {  	_ =	shalt  }
0x46: {  	_ =	shalt  }
0x47: {  	_ =	shalt  }
0x48: {  	_ =	shalt  }
0x49: {  	_ =	shalt  }
0x4a: {  	_ =	shalt  }
0x4b: {  	_ =	shalt  }
0x4c: {  	_ =	shalt  }
0x4d: {  	_ =	shalt  }
0x4e: {  	_ =	shalt  }
0x4f: {  	_ =	shalt  }
0x50: {  	_ =	shalt  }
0x51: {  	_ =	shalt  }
0x52: {  	_ =	shalt  }
0x53: {  	_ =	shalt  }
0x54: {  	_ =	shalt  }
0x55: {  	_ =	shalt  }
0x56: {  	_ =	shalt  }
0x57: {  	_ =	shalt  }
0x58: {  	_ =	shalt  }
0x59: {  	_ =	shalt  }
0x5a: {  	_ =	shalt  }
0x5b: {  	_ =	shalt  }
0x5c: {  	_ =	shalt  }
0x5d: {  	_ =	shalt  }
0x5e: {  	_ =	shalt  }
0x5f: {  	_ =	shalt  }
0x60: {  	_ =	shalt  }
0x61: {  	_ =	shalt  }
0x62: {  	_ =	shalt  }
0x63: {  	_ =	shalt  }
0x64: {  	_ =	shalt  }
0x65: {  	_ =	shalt  }
0x66: {  	_ =	shalt  }
0x67: {  	_ =	shalt  }
0x68: {  	_ =	shalt  }
0x69: {  	_ =	shalt  }
0x6a: {  	_ =	shalt  }
0x6b: {  	_ =	shalt  }
0x6c: {  	_ =	shalt  }
0x6d: {  	_ =	shalt  }
0x6e: {  	_ =	shalt  }
0x6f: {  	_ =	shalt  }
0x70: {  	_ =	shalt  }
0x71: {  	_ =	shalt  }
0x72: {  	_ =	shalt  }
0x73: {  	_ =	shalt  }
0x74: {  	_ =	shalt  }
0x75: {  	_ =	shalt  }
0x76: {  	_ =	shalt  }
0x77: {  	_ =	shalt  }
0x78: {  	_ =	shalt  }
0x79: {  	_ =	shalt  }
0x7a: {  	_ =	shalt  }
0x7b: {  	_ =	shalt  }
0x7c: {  	_ =	shalt  }
0x7d: {  	_ =	shalt  }
0x7e: {  	_ =	shalt  }
0x7f: {  	_ =	shalt  }
0x80: {  	_ =	shalt  }
0x81: {  	_ =	shalt  }
0x82: {  	_ =	shalt  }
0x83: {  	_ =	shalt  }
0x84: {  	_ =	shalt  }
0x85: {  	_ =	shalt  }
0x86: {  	_ =	shalt  }
0x87: {  	_ =	shalt  }
.Lfunc_end0:
.L_simem_size_0:
called_computation_lowered:
.L_overlay_start_0:
0x88: {  	s2 =	sld [smem:$0x3FD9]  }
0x89: {  	s3 =	sld [smem:$0x3FFE];
	_ =	sdelay $0x1  }
0x8a: {  	s1 =	srdreg.scid  }
0x8b: {  	s0 =	sand.u32 $0x1, s1  }
0x8c: {  	s16 =	sshll.u32 s0, $0xA;
	s2 =	sadd.s32 s3, s2  }
0x8d: {  	s2 =	sadd.s32 s2, s16  }
0x8e: {  	[smem:$0x3FC4] =	sst s2  }
0x8f: {  	_ = 	snop  }
0x90: {  	(tm) =	ssettm $0x1  }
0x91: {  	s17 =	sld [smem:$0x3FFB];
	_ =	sdelay $0x3  }
0x92: {  	_ =	strace s17  }
0x93: {  	s2 =	sld [smem:$0x3FFC];
	_ =	sdelay $0x3  }
0x94: {  	_ =	strace s2  }
0x95: {  	s2 =	sld [smem:$0x3FFD];
	_ =	sdelay $0x3  }
0x96: {  	_ =	strace s2  }
0x97: {  	_ =	strace $0x8FFFFFFF  }
0x98: {  	s18 =	sld [smem:$0x3FDB];
	_ =	sdelay $0x1  }
0x99: {  	s19 =	simm.s32 $_scs_section_size  }
0x9a: {  	s4 =	simm.s32 $_size__tile_overlayer_lowered;
	s5 =	simm.s32 $_tile_overlayer_lowered  }
0x9b: {  	s22 =	simm.s32 $0x1BFF;
	s21 =	sshll.u32 s5, $0x1;
	s2 =	sadd.s32 s19, s18  }
0x9c: {  	s6 =	simm.s32 $0x0;
	s20 =	sshll.u32 s4, $0x1;
	s4 =	sadd.s32 s21, s2  }
0x9d: {  	[timem:s6], [sflag:s22] =	dma.local [hbm:s4], s20  }
0x9e: {  	_ =	swait.ge [sflag:s22], s20  }
0x9f: {  	s3 =	ssub.s32 $0x0, s20;
	[sflag:s22] =	ssyncset.done $0x0  }
0xa0: {  	[sflag:s22] =	ssyncadd.s32 s3;
	_ =	sdelay $0x1  }
0xa1: {  	s23 =	simm.s32 $0x1B8B  }
0xa2: {  	_ =	swait.ge [sflag:s23], $0x1  }
0xa3: {  	[sflag:s23] =	ssyncset.done $0x0  }
0xa4: {  	s25 =	simm.s32 $0x1B8E;
	s24 =	sld [smem:$0x3FFE];
	[sflag:s23] =	ssyncadd.s32 $0xFFFFFFFF  }
0xa5: {  	s26 =	simm.s32 $execute0_lowered;
	[smem:$0x3FD2] =	sst s25  }
0xa6: {  	s4 =	sshll.u32 s26, $0x1;
	_ =	strace $0x80000046;
	[dreg:$0x1] =	wrdreg $0xFFFFFFFF  }
0xa7: {  	s28 =	simm.s32 $_size_execute0_lowered;
	s2 =	sadd.s32 s2, s4;
	[dreg:$0x0] =	wrdreg $0x0  }
0xa8: {  	s4 =	sshll.u32 s28, $0x1;
	[dreg:$0x2] =	wrdreg s2  }
0xa9: {  	[dreg:$0x3] =	wrdreg s4  }
0xaa: {  	[dreg:$0x4] =	wrdreg $0xC0  }
0xab: {  	_ =	task [dreg:s6], $0x5FFFF  }
0xac: {  	[dreg:$0x1] =	wrdreg $0xFFFFFFFF  }
0xad: {  	[dreg:$0x0] =	wrdreg $0x60  }
0xae: {  	[dreg:$0x2] =	wrdreg s24  }
0xaf: {  	[dreg:$0x3] =	wrdreg $0x9  }
0xb0: {  	_ =	task.clear_ibuf [dreg:s6], $0x4FFFF;
	_ =	strace $0x90000046  }
0xb1: {  	s29 =	simm.s32 $0x9;
	_ =	strace $0x80000048  }
0xb2: {  	_ =	swait.ge [sflag:s29], $0x1  }
0xb3: {  	[sflag:s29] =	ssyncadd.s32 $0xFFFFFFFF  }
0xb4: {  	_ =	strace $0x90000048  }
0xb5: {  	_ =	sfence  }
0xb6: {  	s30 =	sld [smem:$0x0];
	_ =	sdelay $0x2  }
0xb7: {  	s31 =	sshll.u32 s1, $0xD;
	s1 =	sshrl.u32 s1, $0x2  }
0xb8: {  	s3 =	sand.u32 $0x4000, s31;
	s1 =	sadd.s32 s1, s30  }
0xb9: {  	s0 =	sor.u32 s3, s0;
	s1 =	sshll.u32 s1, $0x11  }
0xba: {  	s0 =	sor.u32 s1, s0  }
0xbb: {  	s0 =	sadd.s32 $0x8F2B, s0  }
0xbc: {  	[sflag:s0] =	ssyncadd.remote.s32 $0x1  }
0xbd: {  	_ =	sfence.sel $0xFFFF  }
0xbe: {  	[dreg:$0x0] =	wrdreg $0xFFFFFFFF;
	(pc) =	sbr.abs _section_cstart, $3  }
0xbf: {  	[dreg:$0x1] =	wrdreg $0xFFFFFFFF  }
0xc0: {  	_ =	task.clear_ibuf [dreg:s6], $0x2FFFF;
	_ =	strace $0x9FFFFFFF  }
0xc1: {  	(tm) =	ssettm $0x7FFFFFFF  }
tec
execute0_lowered:
.L_overlay_start_1:
0x0: {  	(tag) =	ssettag $0x1  }
0x1: {  	s5 =	rddreg [dreg:$0x0]  }
0x2: {  	s0 =	rddreg [dreg:$0x1];
	s2 =	simm.s32 $0x0;
	s4 =	srdreg.scid  }
0x3: {  	s1 =	stileid.u32;
	s11 =	simm.s32 $0x1000;
	s12 =	simm.s32 $0x2000  }
0x4: {  	s13 =	simm.s32 $0x1;
	s14 =	simm.s32 $0x2;
	s15 =	simm.s32 $0x13000  }
0x5: {  	s16 =	simm.s32 $0x0;
	[smem:$0x7FF] =	sst s2;
	s3 =	sadd.s32 $0xF43000, s5  }
0x6: {  	s6 =	sand.u32 $0x1, s4;
	s7 =	sshll.u32 s1, $0x1;
	s4 =	sadd.s32 $0xC00, s5  }
0x7: {  	s5 =	sadd.s32 $0x19C00, s5;
	p0 =	sgt.u32 s1, $0x3;
	_ =	strace $0x80000047  }
0x8: {  	s8 =	ssub.s32 $0x2, s6;
	s7 =	sor.u32 s6, s7;
	s6 =	simm.s32 $0x6  }
0x9: {  	s9 =	sshrl.u32 s8, $0x1;
	s10 =	smul.u32 $0x6, s7;
	s7 =	smin.u32 s7, $0x8  }
0xa: {  	s6 =	simm.s32 @!p0 $0x7;
	s8 =	ssub.s32 s8, s9;
	s9 =	simm.s32 $0x3  }
0xb: {  	s7 =	sadd.s32 s7, s10;
	s8 =	smax.u32 s8, $0x1;
	s10 =	simm.s32 $0x80  }
.LBB2_1:
0xc: {  	s17 =	simm.s32 $0x0  }
.LBB2_2:
0xd: {  	s18 =	sadd.s32 s17, s7  }
0xe: {  	s19 =	sshll.u32 s18, $0x9  }
0xf: {  	s19 =	sand.u32 $0x1FFFFE00, s19  }
0x10: {  	s20 =	sadd.s32 s4, s19;
	s19 =	simm.s32 $0x0  }
0x11: {  	[tilespmem:s19], [sflag:$0x3] =	stream.linear.gather [hbm4b:s20+s19], $0x1000, $0x38;
	[tilespmem:$0x13020] =	vst v63  }
0x12: {  	_ =	swait.ge [sflag:s9], $0x1000  }
0x13: {  	[sflag:s9] =	ssyncset.done $0x0  }
0x14: {  	[sflag:s9] =	ssyncadd.s32 $0xFFFFF000  }
0x15: {  	[tilespmem:s11], [sflag:$0x1] =	stream.indirect.gather [hbm4b:s3+s10], $0x20, s19, s10, $0xb8;
	[tilespmem:$0x13020] =	vst v63  }
0x16: {  	s21 =	simm.s32 $0x3830;
	s20 =	simm.s32 $0x3030  }
0x17: {  	v1 =	vimm.f32 $-3.399999950e+38;
	v0 =	vimm.f32 $-3.399999950e+38;
	[tilespmem:s12], [sflag:$0x2] =	stream.indirect.gather [hbm4b:s3+s10], $0x20, s10, s10, $0xb8;
	[tilespmem:$0x13020] =	vst v63  }
.LBB2_3:
0x18: {  	_ =	swait.ge [sflag:s13], $0x1000  }
0x19: {  	[sflag:s13] =	ssyncset.done $0x0  }
0x1a: {  	s22 =	simm.s32 $0x1040;
	[sflag:s13] =	ssyncadd.s32 $0xFFFFF000  }
0x1b: {  	v3 =	vld [tilespmem:s22+$0xFFFFFFC0]  }
0x1c: {  	v4 =	vld [tilespmem:s22+$0xFFFFFFD0];
	_ =	sdelay $0x2  }
0x1d: {  	v2 =	vmov s20  }
0x1e: {  	vm0 =	veq.f32 v3, $0.0e+00  }
0x1f: {  	v5 =	vshrl.u32 v3, $0x10;
	vm1 =	veq.f32 v4, $0.0e+00;
	v6 =	vand.u32 $0xFFFF0000, v4  }
0x20: {  	v5 =	vsel vm0, $0xF149, v5;
	v6 =	vsel vm1, $0xF1490000, v6  }
0x21: {  	s23 =	simm.s32 $0x0;
	v5 =	vor.u32 v5, v6  }
0x22: {  	[tilespmem:v2+s23+$0xFFFFFFD0 ss:$0x1] =	vst.idx.msk $0xffff, v5  }
0x23: {  	v5 =	vld [tilespmem:s22+$0xFFFFFFE0]  }
0x24: {  	v6 =	vld [tilespmem:s22+$0xFFFFFFF0];
	_ =	sdelay $0x3  }
0x25: {  	vm0 =	veq.f32 v5, $0.0e+00  }
0x26: {  	v7 =	vshrl.u32 v5, $0x10;
	vm1 =	veq.f32 v6, $0.0e+00;
	v8 =	vand.u32 $0xFFFF0000, v6  }
0x27: {  	v7 =	vsel vm0, $0xF149, v7;
	v8 =	vsel vm1, $0xF1490000, v8  }
0x28: {  	v7 =	vor.u32 v7, v8  }
0x29: {  	[tilespmem:v2+s23+$0xFFFFFFE0 ss:$0x1] =	vst.idx.msk $0xffff, v7  }
0x2a: {  	v7 =	vld [tilespmem:s22+$0x0]  }
0x2b: {  	v63 =	vld [tilespmem:s22+$0x10];
	_ =	sdelay $0x3  }
0x2c: {  	vm0 =	veq.f32 v7, $0.0e+00  }
0x2d: {  	v9 =	vshrl.u32 v7, $0x10;
	vm1 =	veq.f32 v63, $0.0e+00;
	v10 =	vand.u32 $0xFFFF0000, v63  }
0x2e: {  	v9 =	vsel vm0, $0xF149, v9;
	v10 =	vsel vm1, $0xF1490000, v10  }
0x2f: {  	v9 =	vor.u32 v9, v10  }
0x30: {  	[tilespmem:v2+s23+$0xFFFFFFF0 ss:$0x1] =	vst.idx.msk $0xffff, v9  }
0x31: {  	v1 =	vmax.f32 v1, v4;
	v9 =	vld [tilespmem:s22+$0x20]  }
0x32: {  	v1 =	vmax.f32 v1, v6  }
0x33: {  	v0 =	vmax.f32 v0, v3;
	v3 =	vmax.f32 v1, v63;
	v1 =	vld [tilespmem:s22+$0x30]  }
0x34: {  	v0 =	vmax.f32 v0, v5  }
0x35: {  	v0 =	vmax.f32 v0, v7  }
0x36: {  	s24 =	simm.s32 $0x100;
	v0 =	vmax.f32 v0, v9;
	vm0 =	veq.f32 v9, $0.0e+00;
	v4 =	vshrl.u32 v9, $0x10  }
.LBB2_4:
0x37: {  	p0 =	sne.s32 s24, $0x1F00  }
0x38: {  	v3 =	vmax.f32 v3, v1;
	vm1 =	veq.f32 v1, $0.0e+00;
	v1 =	vand.u32 $0xFFFF0000, v1;
	s22 =	sadd.s32 $0x80, s22;
	s25 =	smov.u32 s24;
	s24 =	sadd.s32 $0x100, s24  }
0x39: {  	v4 =	vsel vm0, $0xF149, v4;
	v1 =	vsel vm1, $0xF1490000, v1  }
0x3a: {  	v1 =	vor.u32 v4, v1  }
0x3b: {  	[tilespmem:v2+s23+$0x0 ss:$0x1] =	vst.idx.msk $0xffff, v1  }
0x3c: {  	v4 =	vld [tilespmem:s22+$0xFFFFFFC0]  }
0x3d: {  	v5 =	vld [tilespmem:s22+$0xFFFFFFD0];
	_ =	sdelay $0x3  }
0x3e: {  	vm0 =	veq.f32 v4, $0.0e+00;
	v1 =	vshrl.u32 v4, $0x10  }
0x3f: {  	vm1 =	veq.f32 v5, $0.0e+00;
	v1 =	vsel vm0, $0xF149, v1;
	v6 =	vand.u32 $0xFFFF0000, v5  }
0x40: {  	v6 =	vsel vm1, $0xF1490000, v6  }
0x41: {  	s23 =	sshra.s32 s25, $0x2;
	v1 =	vor.u32 v1, v6  }
0x42: {  	[tilespmem:v2+s23+$0xFFFFFFD0 ss:$0x1] =	vst.idx.msk $0xffff, v1  }
0x43: {  	v6 =	vld [tilespmem:s22+$0xFFFFFFE0]  }
0x44: {  	v7 =	vld [tilespmem:s22+$0xFFFFFFF0];
	_ =	sdelay $0x3  }
0x45: {  	vm0 =	veq.f32 v6, $0.0e+00;
	v1 =	vshrl.u32 v6, $0x10  }
0x46: {  	vm1 =	veq.f32 v7, $0.0e+00;
	v1 =	vsel vm0, $0xF149, v1;
	v8 =	vand.u32 $0xFFFF0000, v7  }
0x47: {  	v8 =	vsel vm1, $0xF1490000, v8  }
0x48: {  	v1 =	vor.u32 v1, v8  }
0x49: {  	[tilespmem:v2+s23+$0xFFFFFFE0 ss:$0x1] =	vst.idx.msk $0xffff, v1  }
0x4a: {  	v8 =	vld [tilespmem:s22+$0x0]  }
0x4b: {  	v9 =	vld [tilespmem:s22+$0x10];
	_ =	sdelay $0x3  }
0x4c: {  	vm0 =	veq.f32 v8, $0.0e+00;
	v1 =	vshrl.u32 v8, $0x10  }
0x4d: {  	vm1 =	veq.f32 v9, $0.0e+00;
	v1 =	vsel vm0, $0xF149, v1;
	v10 =	vand.u32 $0xFFFF0000, v9  }
0x4e: {  	v10 =	vsel vm1, $0xF1490000, v10  }
0x4f: {  	v1 =	vor.u32 v1, v10  }
0x50: {  	[tilespmem:v2+s23+$0xFFFFFFF0 ss:$0x1] =	vst.idx.msk $0xffff, v1  }
0x51: {  	v10 =	vld [tilespmem:s22+$0x20]  }
.Ltmp0:
0x52: {  	v1 =	vld [tilespmem:s22+$0x30];
	(pc) =	sbr.rel @p0 .LBB2_4-.Ltmp0, $4  }
0x53: {  	v0 =	vmax.f32 v0, v4;
	v3 =	vmax.f32 v3, v5  }
0x54: {  	v0 =	vmax.f32 v0, v6;
	v3 =	vmax.f32 v3, v7  }
0x55: {  	v0 =	vmax.f32 v0, v8;
	v3 =	vmax.f32 v3, v9  }
0x56: {  	v0 =	vmax.f32 v0, v10;
	vm0 =	veq.f32 v10, $0.0e+00;
	v4 =	vshrl.u32 v10, $0x10  }
0x57: {  	_ = 	snop  }
0x58: {  	vm1 =	veq.f32 v1, $0.0e+00;
	v5 =	vand.u32 $0xFFFF0000, v1  }
0x59: {  	v4 =	vsel vm0, $0xF149, v4;
	s22 =	sshll.u32 s19, $0xA;
	p0 =	seq.s32 s19, $0xF;
	v5 =	vsel vm1, $0xF1490000, v5  }
0x5a: {  	s24 =	sshrl.u32 @!p0 s22, $0x2;
	v4 =	vor.u32 v4, v5  }
0x5b: {  	s25 =	simm.s32 @!p0 $0x1000;
	[tilespmem:v2+s23+$0x0 ss:$0x1] =	vst.idx.msk $0xffff, v4;
	s23 =	sadd.s32 @!p0 $0x100, s24;
	s24 =	simm.s32 @!p0 $0x80  }
0x5c: {  	[tilespmem:s25], [sflag:$0x1] =	stream.indirect.gather @!p0 [hbm4b:s3+s24], $0x20, s23, s24, $0xb8;
	[tilespmem:$0x13020] =	vst v63  }
0x5d: {  	_ =	swait.ge [sflag:s14], $0x1000  }
0x5e: {  	[sflag:s14] =	ssyncset.done $0x0  }
0x5f: {  	s23 =	simm.s32 $0x2070;
	[sflag:s14] =	ssyncadd.s32 $0xFFFFF000  }
0x60: {  	v4 =	vld [tilespmem:s23+$0xFFFFFF90]  }
0x61: {  	v5 =	vld [tilespmem:s23+$0xFFFFFFA0];
	_ =	sdelay $0x2  }
0x62: {  	v2 =	vmov s21  }
0x63: {  	vm0 =	veq.f32 v4, $0.0e+00  }
0x64: {  	v6 =	vshrl.u32 v4, $0x10;
	vm1 =	veq.f32 v5, $0.0e+00;
	v7 =	vand.u32 $0xFFFF0000, v5  }
0x65: {  	v6 =	vsel vm0, $0xF149, v6;
	v7 =	vsel vm1, $0xF1490000, v7  }
0x66: {  	s24 =	simm.s32 $0x0;
	v6 =	vor.u32 v6, v7  }
0x67: {  	[tilespmem:v2+s24+$0xFFFFFFD0 ss:$0x1] =	vst.idx.msk $0xffff, v6  }
0x68: {  	v6 =	vld [tilespmem:s23+$0xFFFFFFB0]  }
0x69: {  	v7 =	vld [tilespmem:s23+$0xFFFFFFC0];
	_ =	sdelay $0x3  }
0x6a: {  	vm0 =	veq.f32 v6, $0.0e+00  }
0x6b: {  	v8 =	vshrl.u32 v6, $0x10;
	vm1 =	veq.f32 v7, $0.0e+00;
	v9 =	vand.u32 $0xFFFF0000, v7  }
0x6c: {  	v8 =	vsel vm0, $0xF149, v8;
	v9 =	vsel vm1, $0xF1490000, v9  }
0x6d: {  	v8 =	vor.u32 v8, v9  }
0x6e: {  	[tilespmem:v2+s24+$0xFFFFFFE0 ss:$0x1] =	vst.idx.msk $0xffff, v8  }
0x6f: {  	v8 =	vld [tilespmem:s23+$0xFFFFFFD0]  }
0x70: {  	v63 =	vld [tilespmem:s23+$0xFFFFFFE0];
	_ =	sdelay $0x3  }
0x71: {  	vm0 =	veq.f32 v8, $0.0e+00  }
0x72: {  	v10 =	vshrl.u32 v8, $0x10;
	vm1 =	veq.f32 v63, $0.0e+00;
	v11 =	vand.u32 $0xFFFF0000, v63  }
0x73: {  	v10 =	vsel vm0, $0xF149, v10;
	v11 =	vsel vm1, $0xF1490000, v11  }
0x74: {  	v10 =	vor.u32 v10, v11  }
0x75: {  	v1 =	vmax.f32 v3, v1;
	[tilespmem:v2+s24+$0xFFFFFFF0 ss:$0x1] =	vst.idx.msk $0xffff, v10  }
0x76: {  	v1 =	vmax.f32 v1, v5;
	v10 =	vld [tilespmem:s23+$0xFFFFFFF0]  }
0x77: {  	v1 =	vmax.f32 v1, v7  }
0x78: {  	v0 =	vmax.f32 v0, v4;
	v3 =	vmax.f32 v1, v63;
	v1 =	vld [tilespmem:s23+$0x0]  }
0x79: {  	v0 =	vmax.f32 v0, v6  }
0x7a: {  	v0 =	vmax.f32 v0, v8  }
0x7b: {  	s25 =	simm.s32 $0x100;
	v0 =	vmax.f32 v0, v10;
	vm0 =	veq.f32 v10, $0.0e+00;
	v4 =	vshrl.u32 v10, $0x10  }
.LBB2_6:
0x7c: {  	p1 =	sne.s32 s25, $0x1F00  }
0x7d: {  	v3 =	vmax.f32 v3, v1;
	vm1 =	veq.f32 v1, $0.0e+00;
	v1 =	vand.u32 $0xFFFF0000, v1;
	s23 =	sadd.s32 $0x80, s23;
	s26 =	smov.u32 s25;
	s25 =	sadd.s32 $0x100, s25  }
0x7e: {  	v4 =	vsel vm0, $0xF149, v4;
	v1 =	vsel vm1, $0xF1490000, v1  }
0x7f: {  	v1 =	vor.u32 v4, v1  }
0x80: {  	[tilespmem:v2+s24+$0x0 ss:$0x1] =	vst.idx.msk $0xffff, v1  }
0x81: {  	v4 =	vld [tilespmem:s23+$0xFFFFFF90]  }
0x82: {  	v5 =	vld [tilespmem:s23+$0xFFFFFFA0];
	_ =	sdelay $0x3  }
0x83: {  	vm0 =	veq.f32 v4, $0.0e+00;
	v1 =	vshrl.u32 v4, $0x10  }
0x84: {  	vm1 =	veq.f32 v5, $0.0e+00;
	v1 =	vsel vm0, $0xF149, v1;
	v6 =	vand.u32 $0xFFFF0000, v5  }
0x85: {  	v6 =	vsel vm1, $0xF1490000, v6  }
0x86: {  	s24 =	sshra.s32 s26, $0x2;
	v1 =	vor.u32 v1, v6  }
0x87: {  	[tilespmem:v2+s24+$0xFFFFFFD0 ss:$0x1] =	vst.idx.msk $0xffff, v1  }
0x88: {  	v6 =	vld [tilespmem:s23+$0xFFFFFFB0]  }
0x89: {  	v7 =	vld [tilespmem:s23+$0xFFFFFFC0];
	_ =	sdelay $0x3  }
0x8a: {  	vm0 =	veq.f32 v6, $0.0e+00;
	v1 =	vshrl.u32 v6, $0x10  }
0x8b: {  	vm1 =	veq.f32 v7, $0.0e+00;
	v1 =	vsel vm0, $0xF149, v1;
	v8 =	vand.u32 $0xFFFF0000, v7  }
0x8c: {  	v8 =	vsel vm1, $0xF1490000, v8  }
0x8d: {  	v1 =	vor.u32 v1, v8  }
0x8e: {  	[tilespmem:v2+s24+$0xFFFFFFE0 ss:$0x1] =	vst.idx.msk $0xffff, v1  }
0x8f: {  	v8 =	vld [tilespmem:s23+$0xFFFFFFD0]  }
0x90: {  	v9 =	vld [tilespmem:s23+$0xFFFFFFE0];
	_ =	sdelay $0x3  }
0x91: {  	vm0 =	veq.f32 v8, $0.0e+00;
	v1 =	vshrl.u32 v8, $0x10  }
0x92: {  	vm1 =	veq.f32 v9, $0.0e+00;
	v1 =	vsel vm0, $0xF149, v1;
	v10 =	vand.u32 $0xFFFF0000, v9  }
0x93: {  	v10 =	vsel vm1, $0xF1490000, v10  }
0x94: {  	v1 =	vor.u32 v1, v10  }
0x95: {  	[tilespmem:v2+s24+$0xFFFFFFF0 ss:$0x1] =	vst.idx.msk $0xffff, v1  }
0x96: {  	v10 =	vld [tilespmem:s23+$0xFFFFFFF0]  }
.Ltmp1:
0x97: {  	v1 =	vld [tilespmem:s23+$0x0];
	(pc) =	sbr.rel @p1 .LBB2_6-.Ltmp1, $4  }
0x98: {  	v0 =	vmax.f32 v0, v4;
	v3 =	vmax.f32 v3, v5  }
0x99: {  	v0 =	vmax.f32 v0, v6;
	v3 =	vmax.f32 v3, v7  }
0x9a: {  	v0 =	vmax.f32 v0, v8;
	v3 =	vmax.f32 v3, v9  }
0x9b: {  	v0 =	vmax.f32 v0, v10;
	vm0 =	veq.f32 v10, $0.0e+00;
	v4 =	vshrl.u32 v10, $0x10  }
.Ltmp2:
0x9c: {  	_ = 	snop;
	(pc) =	sbr.rel @p0 .LBB2_8-.Ltmp2, $4  }
0x9d: {  	vm1 =	veq.f32 v1, $0.0e+00;
	v5 =	vand.u32 $0xFFFF0000, v1  }
0x9e: {  	v4 =	vsel vm0, $0xF149, v4;
	v5 =	vsel vm1, $0xF1490000, v5  }
0x9f: {  	v4 =	vor.u32 v4, v5  }
0xa0: {  	v1 =	vmax.f32 v3, v1;
	[tilespmem:v2+s24+$0x0 ss:$0x1] =	vst.idx.msk $0xffff, v4  }
.Ltmp3:
0xa1: {  	(pc) =	sbr.rel .LBB2_3-.Ltmp3, $4  }
0xa2: {  	_ = 	snop  }
0xa3: {  	s22 =	sshrl.u32 s22, $0x2;
	s19 =	sadd.s32 $0x1, s19  }
0xa4: {  	s20 =	sadd.s32 $0x1000, s20;
	s21 =	sadd.s32 $0x1000, s21;
	s22 =	sadd.s32 $0x180, s22  }
0xa5: {  	[tilespmem:s12], [sflag:$0x2] =	stream.indirect.gather [hbm4b:s3+s10], $0x20, s22, s10, $0xb8;
	[tilespmem:$0x13020] =	vst v63  }
.LBB2_8:
0xa6: {  	s19 =	simm.s32 $0x0  }
0xa7: {  	v3 =	vld [tilespmem:s19+$0x3030]  }
0xa8: {  	v4 =	vld [tilespmem:s19+$0x3000]  }
0xa9: {  	v5 =	vld [tilespmem:s19+$0x3020]  }
0xaa: {  	v6 =	vld [tilespmem:s19+$0x3010];
	_ =	sdelay $0x2  }
0xab: {  	v2 =	vimm.f32 $0.0e+00;
	v7 =	vshll.u32 v3, $0x10;
	v8 =	vshll.u32 v4, $0x10  }
0xac: {  	v3 =	vand.u32 $0xFFFF0000, v3;
	v4 =	vand.u32 $0xFFFF0000, v4;
	v8 =	vsub.f32 v8, v0  }
0xad: {  	v9 =	vshll.u32 v5, $0x10;
	v10 =	vshll.u32 v6, $0x10;
	v4 =	vsub.f32 v4, v1  }
0xae: {  	v6 =	vand.u32 $0xFFFF0000, v6;
	v10 =	vsub.f32 v10, v0;
	v8 =	vmul.f32 $1.442695020e+00, v8  }
0xaf: {  	s31 =	simm.s32 $0x40;
	v11 =	vand.u32 $0xFFFF0000, v5;
	v6 =	vsub.f32 v6, v1;
	v4 =	vmul.f32 $1.442695020e+00, v4  }
0xb0: {  	v5 =	vld [tilespmem:s31+$0x3030];
	v9 =	vsub.f32 v9, v0;
	v10 =	vmul.f32 $1.442695020e+00, v10;
	(erf) = vpow2.f32 v8  }
0xb1: {  	v12 =	vmul.f32 $1.442695020e+00, v6;
	v6 =	vld [tilespmem:s31+$0x3020];
	v8 =	vsub.f32 v11, v1;
	(erf) = vpow2.f32 v4  }
0xb2: {  	v13 =	vmul.f32 $1.442695020e+00, v9;
	v11 =	vsub.f32 v7, v0;
	v7 =	vld [tilespmem:s31+$0x3000];
	(erf) = vpow2.f32 v10  }
0xb3: {  	v9 =	vsub.f32 v3, v1;
	v4 =	vld [tilespmem:s31+$0x3010];
	v8 =	vmul.f32 $1.442695020e+00, v8;
	(erf) = vpow2.f32 v12  }
0xb4: {  	s19 =	simm.s32 $0x200;
	v3 =	vimm.f32 $0.0e+00;
	v10 =	vmul.f32 $1.442695020e+00, v11;
	(erf) = vpow2.f32 v13  }
.LBB2_9:
0xb5: {  	p0 =	sne.s32 s19, $0x3FF00;
	v9 =	vmul.f32 $1.442695020e+00, v9;
	(erf) = vpow2.f32 v8  }
0xb6: {  	v8 =	vshll.u32 v5, $0x10;
	v11 =	vand.u32 $0xFFFF0000, v5;
	(erf) = vpow2.f32 v10  }
0xb7: {  	v5 =	vshll.u32 v6, $0x10;
	v6 =	vand.u32 $0xFFFF0000, v6;
	(erf) = vpow2.f32 v9  }
0xb8: {  	v12 =	vsub.f32 v8, v0;
	v14 =	vshll.u32 v4, $0x10;
	v9 =	vshll.u32 v7, $0x10  }
0xb9: {  	v15 =	vsub.f32 v5, v0;
	v7 =	vand.u32 $0xFFFF0000, v7;
	v16 =	vsub.f32 v14, v0;
	v10 =	vpop (erf)  }
0xba: {  	v4 =	vand.u32 $0xFFFF0000, v4;
	v9 =	vsub.f32 v9, v0;
	v7 =	vsub.f32 v7, v1;
	v13 =	vpop (erf)  }
0xbb: {  	v14 =	vmul.f32 $1.442695020e+00, v15;
	v2 =	vadd.f32 v10, v2;
	v3 =	vadd.f32 v13, v3;
	v5 =	vpop (erf)  }
0xbc: {  	v17 =	vsub.f32 v4, v1;
	v10 =	vmul.f32 $1.442695020e+00, v16;
	v9 =	vmul.f32 $1.442695020e+00, v9;
	v8 =	vpop (erf)  }
0xbd: {  	s20 =	sshra.s32 s19, $0x2;
	v7 =	vmul.f32 $1.442695020e+00, v7;
	v2 =	vadd.f32 v5, v2;
	v3 =	vadd.f32 v8, v3;
	v8 =	vpop (erf)  }
.Ltmp4:
0xbe: {  	v15 =	vsub.f32 v6, v1;
	v13 =	vmul.f32 $1.442695020e+00, v17;
	v5 =	vld [tilespmem:s20+$0x3030];
	(erf) = vpow2.f32 v9;
	v4 =	vpop (erf);
	(pc) =	sbr.rel @p0 .LBB2_9-.Ltmp4, $4  }
0xbf: {  	v2 =	vadd.f32 v8, v2;
	v6 =	vld [tilespmem:s20+$0x3020];
	(erf) = vpow2.f32 v7;
	v3 =	vadd.f32 v4, v3;
	v16 =	vpop (erf)  }
0xc0: {  	v8 =	vmul.f32 $1.442695020e+00, v15;
	v9 =	vsub.f32 v11, v1;
	v4 =	vld [tilespmem:s20+$0x3010];
	(erf) = vpow2.f32 v10;
	v10 =	vpop (erf)  }
0xc1: {  	v2 =	vadd.f32 v16, v2;
	v7 =	vld [tilespmem:s20+$0x3000];
	(erf) = vpow2.f32 v13;
	v3 =	vadd.f32 v10, v3  }
0xc2: {  	s19 =	sadd.s32 $0x100, s19;
	v10 =	vmul.f32 $1.442695020e+00, v12;
	(erf) = vpow2.f32 v14  }
0xc3: {  	_ =	sdelay $0x1  }
0xc4: {  	v9 =	vmul.f32 $1.442695020e+00, v9;
	(erf) = vpow2.f32 v8  }
0xc5: {  	v8 =	vshll.u32 v5, $0x10;
	(erf) = vpow2.f32 v10;
	v11 =	vshll.u32 v7, $0x10  }
0xc6: {  	(erf) = vpow2.f32 v9;
	v7 =	vand.u32 $0xFFFF0000, v7;
	v9 =	vsub.f32 v11, v0  }
0xc7: {  	v5 =	vand.u32 $0xFFFF0000, v5;
	v11 =	vshll.u32 v4, $0x10;
	v7 =	vsub.f32 v7, v1  }
0xc8: {  	v4 =	vand.u32 $0xFFFF0000, v4;
	v11 =	vsub.f32 v11, v0;
	v9 =	vmul.f32 $1.442695020e+00, v9  }
0xc9: {  	v10 =	vshll.u32 v6, $0x10;
	v6 =	vand.u32 $0xFFFF0000, v6;
	v4 =	vsub.f32 v4, v1  }
0xca: {  	v10 =	vsub.f32 v10, v0;
	v7 =	vmul.f32 $1.442695020e+00, v7;
	v11 =	vmul.f32 $1.442695020e+00, v11  }
0xcb: {  	v6 =	vsub.f32 v6, v1;
	v12 =	vpop (erf);
	v4 =	vmul.f32 $1.442695020e+00, v4;
	(erf) = vpow2.f32 v9  }
0xcc: {  	v5 =	vsub.f32 v5, v1;
	v10 =	vmul.f32 $1.442695020e+00, v10;
	v9 =	vpop (erf);
	(erf) = vpow2.f32 v7  }
0xcd: {  	v6 =	vmul.f32 $1.442695020e+00, v6;
	v2 =	vadd.f32 v12, v2;
	(erf) = vpow2.f32 v11  }
0xce: {  	v8 =	vsub.f32 v8, v0;
	v3 =	vadd.f32 v9, v3;
	v7 =	vpop (erf);
	(erf) = vpow2.f32 v4  }
0xcf: {  	v5 =	vmul.f32 $1.442695020e+00, v5;
	v4 =	vpop (erf);
	v2 =	vadd.f32 v7, v2;
	(erf) = vpow2.f32 v10  }
0xd0: {  	v7 =	vmul.f32 $1.442695020e+00, v8;
	v3 =	vadd.f32 v4, v3;
	v4 =	vpop (erf);
	(erf) = vpow2.f32 v6  }
0xd1: {  	v6 =	vpop (erf)  }
0xd2: {  	v2 =	vadd.f32 v4, v2;
	(erf) = vpow2.f32 v7;
	v3 =	vadd.f32 v6, v3;
	v4 =	vpop (erf)  }
0xd3: {  	(erf) = vpow2.f32 v5;
	v5 =	vpop (erf)  }
0xd4: {  	v2 =	vadd.f32 v4, v2;
	v3 =	vadd.f32 v5, v3;
	v4 =	vpop (erf)  }
0xd5: {  	v5 =	vpop (erf)  }
0xd6: {  	v2 =	vadd.f32 v4, v2;
	v3 =	vadd.f32 v5, v3;
	v4 =	vpop (erf)  }
0xd7: {  	v5 =	vpop (erf)  }
0xd8: {  	v2 =	vadd.f32 v4, v2;
	v3 =	vadd.f32 v5, v3;
	v4 =	vpop (erf)  }
0xd9: {  	s19 =	simm.s32 $0x0;
	v5 =	vpop (erf)  }
0xda: {  	v3 =	vadd.f32 v5, v3;
	v5 =	vld [tilespmem:s19+$0x3000]  }
0xdb: {  	v7 =	vld [tilespmem:s19+$0x3010];
	_ =	sdelay $0x1  }
0xdc: {  	v2 =	vadd.f32 v4, v2  }
0xdd: {  	v6 =	vld [tilespmem:s19+$0x3020];
	v4 =	vpop (erf)  }
0xde: {  	v8 =	vpop (erf);
	v2 =	vadd.f32 v4, v2;
	v9 =	vshll.u32 v5, $0x10  }
0xdf: {  	v3 =	vadd.f32 v8, v3;
	v8 =	vshll.u32 v7, $0x10;
	v9 =	vsub.f32 v9, v0  }
0xe0: {  	v7 =	vand.u32 $0xFFFF0000, v7;
	(erf) = vrcp.f32 v2;
	v2 =	vld [tilespmem:s19+$0x3030];
	v5 =	vand.u32 $0xFFFF0000, v5  }
0xe1: {  	v11 =	vsub.f32 v7, v1;
	v10 =	vsub.f32 v5, v1;
	v7 =	vmul.f32 $1.442695020e+00, v9  }
0xe2: {  	v8 =	vsub.f32 v8, v0;
	(erf) = vrcp.f32 v3;
	v3 =	vshll.u32 v6, $0x10  }
0xe3: {  	s31 =	simm.s32 $0x40;
	v6 =	vand.u32 $0xFFFF0000, v6;
	v9 =	vmul.f32 $1.442695020e+00, v10;
	(erf) = vpow2.f32 v7  }
0xe4: {  	v3 =	vsub.f32 v3, v0;
	v8 =	vmul.f32 $1.442695020e+00, v8;
	v6 =	vsub.f32 v6, v1;
	v5 =	vld [tilespmem:s31+$0x3020]  }
0xe5: {  	v13 =	vld [tilespmem:s31+$0x3010];
	v12 =	vshll.u32 v2, $0x10;
	v2 =	vand.u32 $0xFFFF0000, v2;
	(erf) = vpow2.f32 v9  }
0xe6: {  	v10 =	vmul.f32 $1.442695020e+00, v11;
	v7 =	vld [tilespmem:s31+$0x3000];
	(erf) = vpow2.f32 v8;
	v8 =	vsub.f32 v2, v1  }
0xe7: {  	v3 =	vmul.f32 $1.442695020e+00, v3;
	v6 =	vmul.f32 $1.442695020e+00, v6;
	v11 =	vsub.f32 v12, v0  }
0xe8: {  	v4 =	vimm.f32 $0.0e+00;
	(erf) = vpow2.f32 v10;
	v10 =	vmul.f32 $1.442695020e+00, v8;
	v8 =	vld [tilespmem:s31+$0x3030]  }
0xe9: {  	v9 =	vshll.u32 v5, $0x10;
	v14 =	vmul.f32 $1.442695020e+00, v11;
	(erf) = vpow2.f32 v3  }
0xea: {  	v11 =	vshll.u32 v13, $0x10;
	v13 =	vand.u32 $0xFFFF0000, v13;
	v2 =	vpop (erf);
	(erf) = vpow2.f32 v6  }
0xeb: {  	s19 =	simm.s32 $0x200;
	v3 =	vpop (erf);
	v12 =	vshll.u32 v7, $0x10;
	v6 =	vimm.f32 $0.0e+00;
	(erf) = vpow2.f32 v14  }
.LBB2_11:
0xec: {  	p0 =	sne.s32 s19, $0x3FF00;
	v11 =	vsub.f32 v11, v0;
	v16 =	vsub.f32 v9, v0;
	v14 =	vpop (erf);
	(erf) = vpow2.f32 v10  }
0xed: {  	v10 =	vsub.f32 v12, v0;
	v12 =	vsub.f32 v13, v1;
	v13 =	vshll.u32 v8, $0x10  }
0xee: {  	v7 =	vand.u32 $0xFFFF0000, v7;
	v11 =	vmul.f32 $1.442695020e+00, v11;
	v15 =	vmul.f32 $1.442695020e+00, v16;
	v9 =	vpop (erf)  }
0xef: {  	v7 =	vsub.f32 v7, v1;
	v10 =	vmul.f32 $1.442695020e+00, v10;
	v12 =	vmul.f32 $1.442695020e+00, v12  }
0xf0: {  	v8 =	vand.u32 $0xFFFF0000, v8;
	v18 =	vmul.f32 v14, v2;
	v9 =	vmul.f32 v9, v3;
	v16 =	vpop (erf)  }
0xf1: {  	v17 =	vand.u32 $0xFFFF0000, v5;
	v7 =	vmul.f32 $1.442695020e+00, v7;
	v16 =	vmul.f32 v16, v2;
	v5 =	vpop (erf)  }
0xf2: {  	v4 =	vadd.f32 v18, v4;
	v6 =	vadd.f32 v9, v6;
	v9 =	vmul.f32 v5, v3;
	v5 =	vpop (erf)  }
0xf3: {  	s20 =	sshra.s32 s19, $0x2;
	v13 =	vsub.f32 v13, v0;
	(erf) = vpow2.f32 v10;
	v10 =	vmul.f32 v5, v2;
	v14 =	vpop (erf)  }
0xf4: {  	v4 =	vadd.f32 v16, v4;
	v5 =	vld [tilespmem:s20+$0x3020];
	v6 =	vadd.f32 v9, v6;
	v9 =	vmul.f32 v14, v3;
	v14 =	vpop (erf)  }
0xf5: {  	v17 =	vsub.f32 v17, v1;
	v16 =	vld [tilespmem:s20+$0x3010];
	(erf) = vpow2.f32 v7;
	v14 =	vmul.f32 v14, v2;
	v18 =	vpop (erf)  }
0xf6: {  	v4 =	vadd.f32 v10, v4;
	v7 =	vld [tilespmem:s20+$0x3000];
	v6 =	vadd.f32 v9, v6;
	v9 =	vmul.f32 v18, v3  }
.Ltmp5:
0xf7: {  	v17 =	vmul.f32 $1.442695020e+00, v17;
	v10 =	vsub.f32 v8, v1;
	(erf) = vpow2.f32 v11;
	(pc) =	sbr.rel @p0 .LBB2_11-.Ltmp5, $4  }
0xf8: {  	v4 =	vadd.f32 v14, v4;
	v8 =	vld [tilespmem:s20+$0x3030];
	(erf) = vpow2.f32 v12;
	v6 =	vadd.f32 v9, v6  }
0xf9: {  	v14 =	vmul.f32 $1.442695020e+00, v13;
	v9 =	vshll.u32 v5, $0x10;
	(erf) = vpow2.f32 v15  }
0xfa: {  	v10 =	vmul.f32 $1.442695020e+00, v10;
	v11 =	vshll.u32 v16, $0x10;
	(erf) = vpow2.f32 v17  }
0xfb: {  	s19 =	sadd.s32 $0x100, s19;
	v13 =	vand.u32 $0xFFFF0000, v16;
	v12 =	vshll.u32 v7, $0x10;
	(erf) = vpow2.f32 v14  }
0xfc: {  	v11 =	vsub.f32 v11, v0;
	v9 =	vsub.f32 v9, v0  }
0xfd: {  	(erf) = vpow2.f32 v10;
	v34 =	vsub.f32 v12, v0;
	v7 =	vand.u32 $0xFFFF0000, v7  }
0xfe: {  	v35 =	vsub.f32 v13, v1;
	v36 =	vpop (erf);
	v5 =	vand.u32 $0xFFFF0000, v5;
	v7 =	vsub.f32 v7, v1  }
0xff: {  	v14 =	vshll.u32 v8, $0x10;
	v13 =	vmul.f32 v36, v2;
	v11 =	vmul.f32 $1.442695020e+00, v11  }
0x100: {  	v37 =	vand.u32 $0xFFFF0000, v8;
	v9 =	vmul.f32 $1.442695020e+00, v9;
	v10 =	vmul.f32 $1.442695020e+00, v34  }
0x101: {  	v5 =	vsub.f32 v5, v1;
	v12 =	vmul.f32 $1.442695020e+00, v35;
	v15 =	vpop (erf);
	v7 =	vmul.f32 $1.442695020e+00, v7  }
0x102: {  	v41 =	vsub.f32 v14, v0;
	v15 =	vmul.f32 v15, v3;
	v16 =	vpop (erf);
	(erf) = vpow2.f32 v10  }
0x103: {  	v42 =	vsub.f32 v37, v1;
	v5 =	vmul.f32 $1.442695020e+00, v5;
	v39 =	vpop (erf);
	(erf) = vpow2.f32 v7  }
0x104: {  	v0 =	vmul.f32 $1.442695020e+00, v41;
	(erf) = vpow2.f32 v11  }
0x105: {  	v1 =	vmul.f32 $1.442695020e+00, v42;
	(erf) = vpow2.f32 v12  }
0x106: {  	v4 =	vadd.f32 v13, v4;
	v38 =	vmul.f32 v16, v2;
	(erf) = vpow2.f32 v9  }
0x107: {  	v6 =	vadd.f32 v15, v6;
	v40 =	vmul.f32 v39, v3;
	v43 =	vpop (erf);
	(erf) = vpow2.f32 v5  }
0x108: {  	v44 =	vmul.f32 v43, v2;
	v45 =	vpop (erf);
	v4 =	vadd.f32 v38, v4;
	(erf) = vpow2.f32 v0  }
0x109: {  	v46 =	vadd.f32 v40, v6;
	v47 =	vmul.f32 v45, v3;
	v48 =	vpop (erf);
	(erf) = vpow2.f32 v1  }
0x10a: {  	v49 =	vpop (erf);
	v7 =	vmul.f32 v48, v2;
	v4 =	vadd.f32 v44, v4  }
0x10b: {  	v0 =	vadd.f32 v47, v46;
	v1 =	vmul.f32 v49, v3;
	v50 =	vpop (erf)  }
0x10c: {  	v4 =	vadd.f32 v7, v4;
	v51 =	vpop (erf);
	v5 =	vmul.f32 v50, v2  }
0x10d: {  	v0 =	vadd.f32 v1, v0;
	v52 =	vmul.f32 v51, v3;
	v53 =	vpop (erf)  }
0x10e: {  	v6 =	vmul.f32 v53, v2;
	v54 =	vpop (erf);
	v4 =	vadd.f32 v5, v4  }
0x10f: {  	v0 =	vadd.f32 v52, v0;
	v55 =	vmul.f32 v54, v3;
	v56 =	vpop (erf)  }
0x110: {  	v5 =	vmul.f32 v56, v2;
	v57 =	vpop (erf);
	v4 =	vadd.f32 v6, v4  }
0x111: {  	v0 =	vadd.f32 v55, v0;
	v58 =	vmul.f32 v57, v3;
	v59 =	vpop (erf)  }
0x112: {  	v60 =	vmul.f32 v59, v2;
	v61 =	vpop (erf);
	v4 =	vadd.f32 v5, v4  }
0x113: {  	v0 =	vadd.f32 v58, v0;
	v62 =	vmul.f32 v61, v3  }
0x114: {  	v2 =	vadd.f32 v60, v4  }
0x115: {  	v0 =	vadd.f32 v62, v0  }
0x116: {  	v63 =	vmul.f32 $2.441406250e-04, v2  }
0x117: {  	s18 =	sshll.u32 s18, $0x2;
	s17 =	sadd.s32 $0x1, s17;
	v0 =	vmul.f32 $2.441406250e-04, v0  }
0x118: {  	s18 =	sand.u32 $0x1FFFFFFC, s18;
	p0 =	sne.s32 s17, s6;
	[tilespmem:$0x13000] =	vst v63  }
.Ltmp6:
0x119: {  	s18 =	sadd.s32 s5, s18;
	[tilespmem:$0x13010] =	vst v0;
	(pc) =	sbr.rel @p0 .LBB2_2-.Ltmp6, $4  }
0x11a: {  	[hbm4b:s18+s2] =	stream.linear.scatter [tilespmem:s15], [sflag:$0x3], $0x20, $0x38;
	[tilespmem:$0x13020] =	vst v63  }
0x11b: {  	_ =	swait.ge [sflag:s9], $0x20  }
0x11c: {  	[sflag:s9] =	ssyncset.done $0x0  }
0x11d: {  	[sflag:s9] =	ssyncadd.s32 $0xFFFFFFE0  }
0x11e: {  	s16 =	sadd.s32 $0x1, s16  }
0x11f: {  	p0 =	sne.s32 s16, s8  }
.Ltmp7:
0x120: {  	_ = 	snop;
	(pc) =	sbr.rel @p0 .LBB2_1-.Ltmp7, $1  }
0x121: {  	_ =	sdelay $0x3  }
0x122: {  	_ =	sfence.sel $0x180000  }
0x123: {  	[bflag:$0x0] =	sbarrier.arrive $0xFFFF  }
0x124: {  	p0 =	sne.s32 s1, $0x0;
	_ =	strace $0x90000047  }
0x125: {  	s0 =	sadd.s32 @!p0 $0x100000, s0;
	[bflag:$0x2] =	sbarrier.arrive $0xFFFF  }
0x126: {  	[sflag:s0] =	ssyncadd.tile.s32 @!p0 $0x1;
	_ =	shalt  }
.Lfunc_end2:
_tile_overlayer_lowered:
.L_overlay_start_2:
0x127: {  	(tag) =	ssettag $0x2  }
0x128: {  	s0 =	rddreg [dreg:$0x0];
	s2 =	stileid.u32  }
0x129: {  	s1 =	rddreg [dreg:$0x1];
	p0 =	sne.s32 s2, $0x0  }
0x12a: {  	s3 =	rddreg [dreg:$0x2];
	[bflag:$0x3] =	sbarrier.arrive $0xFFFF;
	s2 =	simm.s32 @!p0 $0x1C03  }
0x12b: {  	[timem:s3], [sflag:s2] =	dma.local @!p0 [hbm:s0], s1  }
0x12c: {  	s0 =	simm.s32 @!p0 $0x3  }
0x12d: {  	_ =	swait.ge @!p0 [sflag:s0], s1  }
0x12e: {  	s1 =	ssub.s32 @!p0 $0x0, s1;
	[sflag:s0] =	ssyncset.done @!p0 $0x0  }
0x12f: {  	[sflag:s0] =	ssyncadd.s32 @!p0 s1  }
0x130: {  	[bflag:$0x3] =	sbarrier.arrive $0xFFFF  }
0x131: {  	_ =	shalt  }

</sc_bundles>
